<compile_context>
chip_gen: v7x
topology: tpu7x:2x2x1
jax: 0.10.2.dev20260603
libtpu: 0.0.44.dev20260713+nightly
codegen_flags: <defaults>
</compile_context>

<pallas_src>
import functools

import jax
import jax.numpy as jnp
from jax import lax
from jax.experimental import pallas as pl
from jax.experimental.pallas import tpu as pltpu
from jax.experimental.pallas import tpu_sc as plsc

N = 10000
DH = 128
DOUT = 64
E = 320000

NC = 2
NS = 16
NW = NC * NS
BLK = 128
G = 2
NBLK = 80
E_PAD = NW * BLK * NBLK
N_PAD = N + 112
ROWS_PER_TILE = N_PAD // NS

_mesh = plsc.VectorSubcoreMesh(core_axis_name="c", subcore_axis_name="s")


@functools.partial(
    pl.kernel,
    out_type=jax.ShapeDtypeStruct((NC, N_PAD, DH), jnp.float32),
    mesh=_mesh,
    scratch_types=[
        pltpu.VMEM((NBLK, 1, BLK), jnp.int32),
        pltpu.VMEM((BLK, DH), jnp.float32),
        pltpu.VMEM_SHARED((N_PAD, DH), jnp.float32),
    ],
)
def _sc_degree(dst3_hbm, zeros_hbm, ones_hbm, out_hbm,
               didx_all, ones_v, acc_sh):
    c = lax.axis_index("c")
    s = lax.axis_index("s")
    wid = c * NS + s
    r0 = s * ROWS_PER_TILE
    pltpu.sync_copy(ones_hbm, ones_v)
    pltpu.sync_copy(dst3_hbm.at[pl.ds(wid * NBLK, NBLK)], didx_all)
    pltpu.sync_copy(zeros_hbm.at[pl.ds(r0, ROWS_PER_TILE)],
                    acc_sh.at[pl.ds(r0, ROWS_PER_TILE)])
    plsc.subcore_barrier()

    def group(i, carry):
        pltpu.sync_copy(ones_v, acc_sh.at[didx_all.at[i, 0]], add=True)
        return carry

    lax.fori_loop(0, NBLK, group, 0)
    plsc.subcore_barrier()
    pltpu.sync_copy(acc_sh.at[pl.ds(r0, ROWS_PER_TILE)],
                    out_hbm.at[c, pl.ds(r0, ROWS_PER_TILE)])


@functools.partial(
    pl.kernel,
    out_type=jax.ShapeDtypeStruct((NC, N_PAD, DH), jnp.float32),
    mesh=_mesh,
    scratch_types=[
        pltpu.VMEM((BLK,), jnp.int32),
        pltpu.VMEM((BLK,), jnp.int32),
        pltpu.VMEM((BLK, DH), jnp.float32),
        pltpu.VMEM_SHARED((N_PAD, DH), jnp.float32),
        pltpu.SemaphoreType.DMA,
    ],
)
def _sc_scatter(hp_hbm, src_hbm, dst_hbm, zeros_hbm, out_hbm,
                sidx, didx, rows_v, acc_sh, sem):
    c = lax.axis_index("c")
    s = lax.axis_index("s")
    wid = c * NS + s
    r0 = s * ROWS_PER_TILE
    pltpu.sync_copy(zeros_hbm.at[pl.ds(r0, ROWS_PER_TILE)],
                    acc_sh.at[pl.ds(r0, ROWS_PER_TILE)])
    plsc.subcore_barrier()

    def blk(j, carry):
        base = (wid * NBLK + j) * BLK
        pltpu.sync_copy(src_hbm.at[pl.ds(base, BLK)], sidx)
        pltpu.sync_copy(dst_hbm.at[pl.ds(base, BLK)], didx)
        pltpu.async_copy(hp_hbm.at[sidx], rows_v, sem).wait()
        pltpu.sync_copy(rows_v, acc_sh.at[didx], add=True)
        return carry

    lax.fori_loop(0, NBLK, blk, 0)
    plsc.subcore_barrier()
    pltpu.sync_copy(acc_sh.at[pl.ds(r0, ROWS_PER_TILE)],
                    out_hbm.at[c, pl.ds(r0, ROWS_PER_TILE)])


def _dis_from_degp(degp_ref):
    deg = degp_ref[0][:N, 0:1] + degp_ref[1][:N, 0:1] + 1.0
    return lax.rsqrt(deg)


def _pool(x, gwt, gb, lp, lpb):
    logit = jnp.sum(x * gwt, axis=1, keepdims=True) + gb
    e = jnp.exp(logit - jnp.max(logit))
    pool = jnp.sum(x * e, axis=0, keepdims=True) / jnp.sum(e)
    return jnp.dot(pool, lp, preferred_element_type=jnp.float32) + lpb


def _tc0_body(x_ref, degp_ref, W_ref, gwt_ref, gb_ref, lp_ref, lpb_ref,
              hp_ref, pool_ref):
    x = x_ref[...]
    dis = _dis_from_degp(degp_ref)
    pool_ref[...] = _pool(x, gwt_ref[...], gb_ref[...], lp_ref[...], lpb_ref[...])
    hp_ref[...] = jnp.dot(x, W_ref[...], preferred_element_type=jnp.float32) * dis


def _tcmid_body(aggp_ref, hp_prev_ref, degp_ref, b_ref, W_ref,
                gwt_ref, gb_ref, lp_ref, lpb_ref, hp_ref, pool_ref):
    dis = _dis_from_degp(degp_ref)
    agg = aggp_ref[0][:N, :] + aggp_ref[1][:N, :] + hp_prev_ref[...]
    x = agg * dis + b_ref[...]
    pool_ref[...] = _pool(x, gwt_ref[...], gb_ref[...], lp_ref[...], lpb_ref[...])
    hp_ref[...] = jnp.dot(x, W_ref[...], preferred_element_type=jnp.float32) * dis


def _tcfin_body(aggp_ref, hp_prev_ref, degp_ref, b_ref,
                gwt_ref, gb_ref, cw_ref, cb_ref,
                p0_ref, p1_ref, p2_ref, h0_ref, beta_ref, risk_ref):
    dis = _dis_from_degp(degp_ref)
    agg = aggp_ref[0][:N, :] + aggp_ref[1][:N, :] + hp_prev_ref[...]
    x = agg * dis + b_ref[...]
    p3 = _pool(x, gwt_ref[...], gb_ref[...], cw_ref[...], cb_ref[...])
    out = (p0_ref[...] + p1_ref[...] + p2_ref[...] + p3) * 0.25
    val = jnp.sum(out * beta_ref[...])
    risk_ref[...] = jnp.exp(h0_ref[...] + val)


def _tc_stage0(x, degp, W, gwt, gb, lp, lpb):
    return pl.pallas_call(
        _tc0_body,
        out_shape=[jax.ShapeDtypeStruct((N, DH), jnp.float32),
                   jax.ShapeDtypeStruct((1, DOUT), jnp.float32)],
    )(x, degp, W, gwt, gb, lp, lpb)


def _tc_stage(aggp, hp_prev, degp, b, W, gwt, gb, lp, lpb):
    return pl.pallas_call(
        _tcmid_body,
        out_shape=[jax.ShapeDtypeStruct((N, DH), jnp.float32),
                   jax.ShapeDtypeStruct((1, DOUT), jnp.float32)],
    )(aggp, hp_prev, degp, b, W, gwt, gb, lp, lpb)


def _tc_final(aggp, hp_prev, degp, b, gwt, gb, cw, cb, p0, p1, p2, h0, beta):
    return pl.pallas_call(
        _tcfin_body,
        out_shape=jax.ShapeDtypeStruct((1, 1), jnp.float32),
    )(aggp, hp_prev, degp, b, gwt, gb, cw, cb, p0, p1, p2, h0, beta)


def kernel(x, edge_index, W0, b0, W1, b1, W2, b2, gw0, gb0, gw1, gb1,
           gw2, gb2, gw3, gb3, lpw0, lpb0, lpw1, lpb1, lpw2, lpb2,
           cw, cb, h0, beta):
    src = edge_index[0]
    dst = edge_index[1]
    pad = E_PAD - E
    srcp = jnp.concatenate([src, jnp.zeros((pad,), jnp.int32)])
    trash = jnp.full((pad,), N, jnp.int32)
    dstp = jnp.concatenate([dst, trash])
    dst3 = dstp.reshape(NW * NBLK, 1, BLK)
    zrow = jnp.zeros((N_PAD, DH), jnp.float32)
    ones_blk = jnp.ones((BLK, DH), jnp.float32)

    degp = _sc_degree(dst3, zrow, ones_blk)

    hp0, p0 = _tc_stage0(x, degp, W0, gw0.reshape(1, DH), gb0.reshape(1, 1),
                         lpw0, lpb0.reshape(1, DOUT))
    agg0 = _sc_scatter(hp0, srcp, dstp, zrow)
    hp1, p1 = _tc_stage(agg0, hp0, degp, b0.reshape(1, DH), W1,
                        gw1.reshape(1, DH), gb1.reshape(1, 1),
                        lpw1, lpb1.reshape(1, DOUT))
    agg1 = _sc_scatter(hp1, srcp, dstp, zrow)
    hp2, p2 = _tc_stage(agg1, hp1, degp, b1.reshape(1, DH), W2,
                        gw2.reshape(1, DH), gb2.reshape(1, 1),
                        lpw2, lpb2.reshape(1, DOUT))
    agg2 = _sc_scatter(hp2, srcp, dstp, zrow)
    risk = _tc_final(agg2, hp2, degp, b2.reshape(1, DH),
                     gw3.reshape(1, DH), gb3.reshape(1, 1), cw,
                     cb.reshape(1, DOUT), p0, p1, p2,
                     h0.reshape(1, 1), beta.reshape(1, DOUT))
    return risk.reshape(1)

# --- scband reference (transcript-rebuilt; emitter-appended) ---
"""Pipeline reference for scband-gcn-14766097563851 (READ-ONLY COPY).

The authoritative reference and input builder live on the scoring server;
editing this copy changes nothing except your own understanding.
"""

import jax, jax.numpy as jnp
import numpy as np

N = 10000
E = 320000
D_IN = 128
D_H = 128
D_OUT = 64

def _gcn_conv(x, src, dst, W, b):
    n = x.shape[0]
    loop = jnp.arange(n, dtype=src.dtype)
    s = jnp.concatenate([src, loop])
    d = jnp.concatenate([dst, loop])
    deg = jnp.zeros((n,), dtype=x.dtype).at[d].add(1.0)
    dis = jnp.where(deg > 0, 1.0 / jnp.sqrt(deg), 0.0)
    norm = dis[s] * dis[d]
    h = x @ W
    msg = h[s] * norm[:, None]
    out = jnp.zeros((n, W.shape[1]), dtype=x.dtype).at[d].add(msg)
    return out + b

def _att_pool(x, gw, gb):
    gate = x @ gw + gb
    gate = jax.nn.softmax(gate, axis=0)
    return jnp.sum(gate * x, axis=0, keepdims=True)

def setup_inputs(seed: int = 0):
    key = jax.random.key(seed)
    ks = jax.random.split(key, 16)
    def lin(k, i, o):
        k1, k2 = jax.random.split(k)
        return (jax.random.normal(k1, (i, o), dtype=jnp.float32) * 0.05,
                jax.random.normal(k2, (o,), dtype=jnp.float32) * 0.05)
    inp = {}
    inp['x'] = jax.random.normal(ks[0], (N, D_IN), dtype=jnp.float32)
    inp['edge_index'] = jax.random.randint(ks[1], (2, E), 0, N, dtype=jnp.int32)
    inp['W0'], inp['b0'] = lin(ks[2], D_IN, D_H)
    inp['W1'], inp['b1'] = lin(ks[3], D_H, D_H)
    inp['W2'], inp['b2'] = lin(ks[4], D_H, D_H)
    inp['gw0'], inp['gb0'] = lin(ks[5], D_IN, 1)
    inp['gw1'], inp['gb1'] = lin(ks[6], D_H, 1)
    inp['gw2'], inp['gb2'] = lin(ks[7], D_H, 1)
    inp['gw3'], inp['gb3'] = lin(ks[8], D_H, 1)
    inp['lpw0'], inp['lpb0'] = lin(ks[9], D_IN, D_OUT)
    inp['lpw1'], inp['lpb1'] = lin(ks[10], D_H, D_OUT)
    inp['lpw2'], inp['lpb2'] = lin(ks[11], D_H, D_OUT)
    inp['cw'], inp['cb'] = lin(ks[12], D_H, D_OUT)
    inp['h0'] = jax.random.normal(ks[13], (1,), dtype=jnp.float32) * 0.05
    inp['beta'] = jax.random.normal(ks[14], (D_OUT,), dtype=jnp.float32) * 0.05
    return inp

def reference(x, edge_index, W0, b0, W1, b1, W2, b2, gw0, gb0, gw1, gb1, gw2, gb2, gw3, gb3, lpw0, lpb0, lpw1, lpb1, lpw2, lpb2, cw, cb, h0, beta):
    src, dst = edge_index[0], edge_index[1]
    h_list = []
    h_list.append(_att_pool(x, gw0, gb0) @ lpw0 + lpb0)
    x1 = _gcn_conv(x, src, dst, W0, b0)
    h_list.append(_att_pool(x1, gw1, gb1) @ lpw1 + lpb1)
    x2 = _gcn_conv(x1, src, dst, W1, b1)
    h_list.append(_att_pool(x2, gw2, gb2) @ lpw2 + lpb2)
    x3 = _gcn_conv(x2, src, dst, W2, b2)
    h_list.append(_att_pool(x3, gw3, gb3) @ cw + cb)
    out = jnp.stack(h_list).mean(0)
    risk_score = jnp.exp(h0) * jnp.exp(out @ beta)
    return risk_score

if __name__ == "__main__":
    import jax
    _d = setup_inputs()
    print(jax.jit(kernel)(*tuple(_d.values())))

</pallas_src>

<mosaic_0001>
#map = affine_map<(d0, d1) -> (0, 0)>
#map1 = affine_map<(d0, d1) -> (0)>
#map2 = affine_map<(d0, d1) -> (0, 0, 0)>
module attributes {stable_mosaic.version = 14 : i64} {
  func.func @_sc_scatter(%arg0: i32, %arg1: i32, %arg2: memref<10000x128xf32, #tpu.memory_space<hbm>>, %arg3: memref<327680xi32, #tpu.memory_space<hbm>>, %arg4: memref<327680xi32, #tpu.memory_space<hbm>>, %arg5: memref<10112x128xf32, #tpu.memory_space<hbm>>, %arg6: memref<2x10112x128xf32, #tpu.memory_space<hbm>>, %arg7: memref<128xi32, #tpu.memory_space<vmem>>, %arg8: memref<128xi32, #tpu.memory_space<vmem>>, %arg9: memref<128x128xf32, #tpu.memory_space<vmem>>, %arg10: memref<10112x128xf32, #tpu.memory_space<vmem_shared>>, %arg11: memref<!tpu.dma_semaphore, #tpu.memory_space<semaphore_mem>>) attributes {dimension_semantics = [#tpu.dimension_semantics<core_parallel>, #tpu.dimension_semantics<subcore_parallel>], iteration_bounds = array<i64: 2, 16>, scalar_prefetch = 0 : i64, scratch_operands = 5 : i64, tpu.core_type = #tpu.core_type<sc_vector_subcore>, window_params = [{transform_indices = #map}, {transform_indices = #map1}, {transform_indices = #map1}, {transform_indices = #map}, {transform_indices = #map2}]} {
    %mul3A = arith.constant 16 : i32
    %mul3A_0 = arith.muli %arg0, %mul3A : i32
    %add3A = arith.addi %mul3A_0, %arg1 : i32
    %mul3A_1 = arith.constant 632 : i32
    %mul3A_2 = arith.muli %arg1, %mul3A_1 : i32
    "tpu.region"() ({
      %run_scoped3A = tpu.sem_alloc : memref<!tpu.dma_semaphore, #tpu.memory_space<semaphore_mem>>
      %dma_start3A = arith.constant 0 : i32
      %dma_start3A_9 = tpu.memref_slice %arg10[%mul3A_2, %dma_start3A] : memref<10112x128xf32, #tpu.memory_space<vmem_shared>> -> memref<632x128xf32, #tpu.memory_space<vmem_shared>>
      %dma_start3A_10 = arith.constant 0 : i32
      %dma_start3A_11 = tpu.memref_slice %arg5[%mul3A_2, %dma_start3A_10] : memref<10112x128xf32, #tpu.memory_space<hbm>> -> memref<632x128xf32, #tpu.memory_space<hbm>>
      tpu.enqueue_dma source(%dma_start3A_11 : memref<632x128xf32, #tpu.memory_space<hbm>>) target(%dma_start3A_9 : memref<632x128xf32, #tpu.memory_space<vmem_shared>>) target_semaphore(%run_scoped3A : memref<!tpu.dma_semaphore, #tpu.memory_space<semaphore_mem>>)
      %dma_wait3A = arith.constant 0 : i32
      %dma_wait3A_12 = tpu.memref_slice %arg10[%mul3A_2, %dma_wait3A] : memref<10112x128xf32, #tpu.memory_space<vmem_shared>> -> memref<632x128xf32, #tpu.memory_space<vmem_shared>>
      %dma_wait3A_13 = arith.constant 0 : i32
      %dma_wait3A_14 = tpu.memref_slice %arg5[%mul3A_2, %dma_wait3A_13] : memref<10112x128xf32, #tpu.memory_space<hbm>> -> memref<632x128xf32, #tpu.memory_space<hbm>>
      tpu.wait_dma2 semaphore(%run_scoped3A : memref<!tpu.dma_semaphore, #tpu.memory_space<semaphore_mem>>) src(%dma_wait3A_14 : memref<632x128xf32, #tpu.memory_space<hbm>>) dst(%dma_wait3A_12 : memref<632x128xf32, #tpu.memory_space<vmem_shared>>)
      tpu.yield
    }) : () -> ()
    %barrier3A = arith.constant 0 : index
    tpu.barrier barrier_id(%barrier3A)
    %scan3A = arith.constant 0 : i32
    %scan3A_3 = arith.constant 0 : i32
    %scan3A_4 = arith.constant 80 : i32
    %scan3A_5 = arith.addi %scan3A_3, %scan3A_4 : i32
    %scan3A_6 = arith.constant 1 : i32
    scf.for %scan3A_9 = %scan3A_3 to %scan3A_5 step %scan3A_6  : i32 {
      %mul3A_10 = arith.constant 80 : i32
      %mul3A_11 = arith.muli %add3A, %mul3A_10 : i32
      %add3A_12 = arith.addi %mul3A_11, %scan3A_9 : i32
      %mul3A_13 = arith.constant 128 : i32
      %mul3A_14 = arith.muli %add3A_12, %mul3A_13 : i32
      "tpu.region"() ({
        %run_scoped3A = tpu.sem_alloc : memref<!tpu.dma_semaphore, #tpu.memory_space<semaphore_mem>>
        %dma_start3A_19 = tpu.memref_slice %arg3[%mul3A_14] : memref<327680xi32, #tpu.memory_space<hbm>> -> memref<128xi32, #tpu.memory_space<hbm>>
        %dma_start3A_20 = tpu.memref_slice %arg3[%mul3A_14] : memref<327680xi32, #tpu.memory_space<hbm>> -> memref<128xi32, #tpu.memory_space<hbm>>
        tpu.enqueue_dma source(%dma_start3A_20 : memref<128xi32, #tpu.memory_space<hbm>>) target(%arg7 : memref<128xi32, #tpu.memory_space<vmem>>) target_semaphore(%run_scoped3A : memref<!tpu.dma_semaphore, #tpu.memory_space<semaphore_mem>>)
        %dma_wait3A_21 = tpu.memref_slice %arg3[%mul3A_14] : memref<327680xi32, #tpu.memory_space<hbm>> -> memref<128xi32, #tpu.memory_space<hbm>>
        %dma_wait3A_22 = tpu.memref_slice %arg3[%mul3A_14] : memref<327680xi32, #tpu.memory_space<hbm>> -> memref<128xi32, #tpu.memory_space<hbm>>
        tpu.wait_dma2 semaphore(%run_scoped3A : memref<!tpu.dma_semaphore, #tpu.memory_space<semaphore_mem>>) src(%dma_wait3A_22 : memref<128xi32, #tpu.memory_space<hbm>>) dst(%arg7 : memref<128xi32, #tpu.memory_space<vmem>>)
        tpu.yield
      }) : () -> ()
      "tpu.region"() ({
        %run_scoped3A = tpu.sem_alloc : memref<!tpu.dma_semaphore, #tpu.memory_space<semaphore_mem>>
        %dma_start3A_19 = tpu.memref_slice %arg4[%mul3A_14] : memref<327680xi32, #tpu.memory_space<hbm>> -> memref<128xi32, #tpu.memory_space<hbm>>
        %dma_start3A_20 = tpu.memref_slice %arg4[%mul3A_14] : memref<327680xi32, #tpu.memory_space<hbm>> -> memref<128xi32, #tpu.memory_space<hbm>>
        tpu.enqueue_dma source(%dma_start3A_20 : memref<128xi32, #tpu.memory_space<hbm>>) target(%arg8 : memref<128xi32, #tpu.memory_space<vmem>>) target_semaphore(%run_scoped3A : memref<!tpu.dma_semaphore, #tpu.memory_space<semaphore_mem>>)
        %dma_wait3A_21 = tpu.memref_slice %arg4[%mul3A_14] : memref<327680xi32, #tpu.memory_space<hbm>> -> memref<128xi32, #tpu.memory_space<hbm>>
        %dma_wait3A_22 = tpu.memref_slice %arg4[%mul3A_14] : memref<327680xi32, #tpu.memory_space<hbm>> -> memref<128xi32, #tpu.memory_space<hbm>>
        tpu.wait_dma2 semaphore(%run_scoped3A : memref<!tpu.dma_semaphore, #tpu.memory_space<semaphore_mem>>) src(%dma_wait3A_22 : memref<128xi32, #tpu.memory_space<hbm>>) dst(%arg8 : memref<128xi32, #tpu.memory_space<vmem>>)
        tpu.yield
      }) : () -> ()
      %dma_start3A = arith.constant 0 : i32
      %dma_start3A_15 = arith.constant 0 : i32
      %dma_start3A_16 = tpu.memref_slice %arg2[%dma_start3A, %dma_start3A_15] : memref<10000x128xf32, #tpu.memory_space<hbm>> -> memref<10000x128xf32, #tpu.memory_space<hbm>>
      tpu.enqueue_indirect_dma source(%dma_start3A_16 : memref<10000x128xf32, #tpu.memory_space<hbm>>) target(%arg9 : memref<128x128xf32, #tpu.memory_space<vmem>>) offsets(%arg7 : memref<128xi32, #tpu.memory_space<vmem>>) semaphore(%arg11 : memref<!tpu.dma_semaphore, #tpu.memory_space<semaphore_mem>>)
      %dma_wait3A = arith.constant 0 : i32
      %dma_wait3A_17 = arith.constant 0 : i32
      %dma_wait3A_18 = tpu.memref_slice %arg2[%dma_wait3A, %dma_wait3A_17] : memref<10000x128xf32, #tpu.memory_space<hbm>> -> memref<10000x128xf32, #tpu.memory_space<hbm>>
      tpu.wait_indirect_dma semaphore(%arg11 : memref<!tpu.dma_semaphore, #tpu.memory_space<semaphore_mem>>) src(%dma_wait3A_18 : memref<10000x128xf32, #tpu.memory_space<hbm>>) dst(%arg9 : memref<128x128xf32, #tpu.memory_space<vmem>>)
      "tpu.region"() ({
        %run_scoped3A = tpu.sem_alloc : memref<!tpu.dma_semaphore, #tpu.memory_space<semaphore_mem>>
        %dma_start3A_19 = arith.constant 0 : i32
        %dma_start3A_20 = arith.constant 0 : i32
        %dma_start3A_21 = tpu.memref_slice %arg10[%dma_start3A_19, %dma_start3A_20] : memref<10112x128xf32, #tpu.memory_space<vmem_shared>> -> memref<10112x128xf32, #tpu.memory_space<vmem_shared>>
        tpu.enqueue_indirect_dma source(%arg9 : memref<128x128xf32, #tpu.memory_space<vmem>>) target(%dma_start3A_21 : memref<10112x128xf32, #tpu.memory_space<vmem_shared>>) offsets(%arg8 : memref<128xi32, #tpu.memory_space<vmem>>) semaphore(%run_scoped3A : memref<!tpu.dma_semaphore, #tpu.memory_space<semaphore_mem>>) {add = true}
        %dma_wait3A_22 = arith.constant 0 : i32
        %dma_wait3A_23 = arith.constant 0 : i32
        %dma_wait3A_24 = tpu.memref_slice %arg10[%dma_wait3A_22, %dma_wait3A_23] : memref<10112x128xf32, #tpu.memory_space<vmem_shared>> -> memref<10112x128xf32, #tpu.memory_space<vmem_shared>>
        tpu.wait_indirect_dma semaphore(%run_scoped3A : memref<!tpu.dma_semaphore, #tpu.memory_space<semaphore_mem>>) src(%arg9 : memref<128x128xf32, #tpu.memory_space<vmem>>) dst(%dma_wait3A_24 : memref<10112x128xf32, #tpu.memory_space<vmem_shared>>)
        tpu.yield
      }) : () -> ()
    }
    %scan3A_7 = arith.constant 80 : i32
    %barrier3A_8 = arith.constant 0 : index
    tpu.barrier barrier_id(%barrier3A_8)
    "tpu.region"() ({
      %run_scoped3A = tpu.sem_alloc : memref<!tpu.dma_semaphore, #tpu.memory_space<semaphore_mem>>
      %dma_start3A = arith.constant 0 : i32
      %dma_start3A_9 = tpu.memref_slice %arg6[%arg0, %mul3A_2, %dma_start3A] : memref<2x10112x128xf32, #tpu.memory_space<hbm>> -> memref<1x632x128xf32, #tpu.memory_space<hbm>>
      %dma_start3A_10 = tpu.memref_squeeze %dma_start3A_9 : memref<1x632x128xf32, #tpu.memory_space<hbm>> -> memref<632x128xf32, #tpu.memory_space<hbm>>
      %dma_start3A_11 = arith.constant 0 : i32
      %dma_start3A_12 = tpu.memref_slice %arg10[%mul3A_2, %dma_start3A_11] : memref<10112x128xf32, #tpu.memory_space<vmem_shared>> -> memref<632x128xf32, #tpu.memory_space<vmem_shared>>
      tpu.enqueue_dma source(%dma_start3A_12 : memref<632x128xf32, #tpu.memory_space<vmem_shared>>) target(%dma_start3A_10 : memref<632x128xf32, #tpu.memory_space<hbm>>) target_semaphore(%run_scoped3A : memref<!tpu.dma_semaphore, #tpu.memory_space<semaphore_mem>>)
      %dma_wait3A = arith.constant 0 : i32
      %dma_wait3A_13 = tpu.memref_slice %arg6[%arg0, %mul3A_2, %dma_wait3A] : memref<2x10112x128xf32, #tpu.memory_space<hbm>> -> memref<1x632x128xf32, #tpu.memory_space<hbm>>
      %dma_wait3A_14 = tpu.memref_squeeze %dma_wait3A_13 : memref<1x632x128xf32, #tpu.memory_space<hbm>> -> memref<632x128xf32, #tpu.memory_space<hbm>>
      %dma_wait3A_15 = arith.constant 0 : i32
      %dma_wait3A_16 = tpu.memref_slice %arg10[%mul3A_2, %dma_wait3A_15] : memref<10112x128xf32, #tpu.memory_space<vmem_shared>> -> memref<632x128xf32, #tpu.memory_space<vmem_shared>>
      tpu.wait_dma2 semaphore(%run_scoped3A : memref<!tpu.dma_semaphore, #tpu.memory_space<semaphore_mem>>) src(%dma_wait3A_16 : memref<632x128xf32, #tpu.memory_space<vmem_shared>>) dst(%dma_wait3A_14 : memref<632x128xf32, #tpu.memory_space<hbm>>)
      tpu.yield
    }) : () -> ()
    return
  }
}

#map = affine_map<(d0, d1) -> (0, 0, 0)>
#map1 = affine_map<(d0, d1) -> (0, 0)>
module attributes {stable_mosaic.version = 14 : i64} {
  func.func @_sc_degree(%arg0: i32, %arg1: i32, %arg2: memref<2560x1x128xi32, #tpu.memory_space<hbm>>, %arg3: memref<10112x128xf32, #tpu.memory_space<hbm>>, %arg4: memref<128x128xf32, #tpu.memory_space<hbm>>, %arg5: memref<2x10112x128xf32, #tpu.memory_space<hbm>>, %arg6: memref<80x1x128xi32, #tpu.memory_space<vmem>>, %arg7: memref<128x128xf32, #tpu.memory_space<vmem>>, %arg8: memref<10112x128xf32, #tpu.memory_space<vmem_shared>>) attributes {dimension_semantics = [#tpu.dimension_semantics<core_parallel>, #tpu.dimension_semantics<subcore_parallel>], iteration_bounds = array<i64: 2, 16>, scalar_prefetch = 0 : i64, scratch_operands = 3 : i64, tpu.core_type = #tpu.core_type<sc_vector_subcore>, window_params = [{transform_indices = #map}, {transform_indices = #map1}, {transform_indices = #map1}, {transform_indices = #map}]} {
    %mul3A = arith.constant 16 : i32
    %mul3A_0 = arith.muli %arg0, %mul3A : i32
    %add3A = arith.addi %mul3A_0, %arg1 : i32
    %mul3A_1 = arith.constant 632 : i32
    %mul3A_2 = arith.muli %arg1, %mul3A_1 : i32
    "tpu.region"() ({
      %run_scoped3A = tpu.sem_alloc : memref<!tpu.dma_semaphore, #tpu.memory_space<semaphore_mem>>
      tpu.enqueue_dma source(%arg4 : memref<128x128xf32, #tpu.memory_space<hbm>>) target(%arg7 : memref<128x128xf32, #tpu.memory_space<vmem>>) target_semaphore(%run_scoped3A : memref<!tpu.dma_semaphore, #tpu.memory_space<semaphore_mem>>)
      tpu.wait_dma2 semaphore(%run_scoped3A : memref<!tpu.dma_semaphore, #tpu.memory_space<semaphore_mem>>) src(%arg4 : memref<128x128xf32, #tpu.memory_space<hbm>>) dst(%arg7 : memref<128x128xf32, #tpu.memory_space<vmem>>)
      tpu.yield
    }) : () -> ()
    %mul3A_3 = arith.constant 80 : i32
    %mul3A_4 = arith.muli %add3A, %mul3A_3 : i32
    "tpu.region"() ({
      %run_scoped3A = tpu.sem_alloc : memref<!tpu.dma_semaphore, #tpu.memory_space<semaphore_mem>>
      %dma_start3A = arith.constant 0 : i32
      %dma_start3A_11 = arith.constant 0 : i32
      %dma_start3A_12 = tpu.memref_slice %arg2[%mul3A_4, %dma_start3A, %dma_start3A_11] : memref<2560x1x128xi32, #tpu.memory_space<hbm>> -> memref<80x1x128xi32, #tpu.memory_space<hbm>>
      %dma_start3A_13 = arith.constant 0 : i32
      %dma_start3A_14 = arith.constant 0 : i32
      %dma_start3A_15 = tpu.memref_slice %arg2[%mul3A_4, %dma_start3A_13, %dma_start3A_14] : memref<2560x1x128xi32, #tpu.memory_space<hbm>> -> memref<80x1x128xi32, #tpu.memory_space<hbm>>
      tpu.enqueue_dma source(%dma_start3A_15 : memref<80x1x128xi32, #tpu.memory_space<hbm>>) target(%arg6 : memref<80x1x128xi32, #tpu.memory_space<vmem>>) target_semaphore(%run_scoped3A : memref<!tpu.dma_semaphore, #tpu.memory_space<semaphore_mem>>)
      %dma_wait3A = arith.constant 0 : i32
      %dma_wait3A_16 = arith.constant 0 : i32
      %dma_wait3A_17 = tpu.memref_slice %arg2[%mul3A_4, %dma_wait3A, %dma_wait3A_16] : memref<2560x1x128xi32, #tpu.memory_space<hbm>> -> memref<80x1x128xi32, #tpu.memory_space<hbm>>
      %dma_wait3A_18 = arith.constant 0 : i32
      %dma_wait3A_19 = arith.constant 0 : i32
      %dma_wait3A_20 = tpu.memref_slice %arg2[%mul3A_4, %dma_wait3A_18, %dma_wait3A_19] : memref<2560x1x128xi32, #tpu.memory_space<hbm>> -> memref<80x1x128xi32, #tpu.memory_space<hbm>>
      tpu.wait_dma2 semaphore(%run_scoped3A : memref<!tpu.dma_semaphore, #tpu.memory_space<semaphore_mem>>) src(%dma_wait3A_20 : memref<80x1x128xi32, #tpu.memory_space<hbm>>) dst(%arg6 : memref<80x1x128xi32, #tpu.memory_space<vmem>>)
      tpu.yield
    }) : () -> ()
    "tpu.region"() ({
      %run_scoped3A = tpu.sem_alloc : memref<!tpu.dma_semaphore, #tpu.memory_space<semaphore_mem>>
      %dma_start3A = arith.constant 0 : i32
      %dma_start3A_11 = tpu.memref_slice %arg8[%mul3A_2, %dma_start3A] : memref<10112x128xf32, #tpu.memory_space<vmem_shared>> -> memref<632x128xf32, #tpu.memory_space<vmem_shared>>
      %dma_start3A_12 = arith.constant 0 : i32
      %dma_start3A_13 = tpu.memref_slice %arg3[%mul3A_2, %dma_start3A_12] : memref<10112x128xf32, #tpu.memory_space<hbm>> -> memref<632x128xf32, #tpu.memory_space<hbm>>
      tpu.enqueue_dma source(%dma_start3A_13 : memref<632x128xf32, #tpu.memory_space<hbm>>) target(%dma_start3A_11 : memref<632x128xf32, #tpu.memory_space<vmem_shared>>) target_semaphore(%run_scoped3A : memref<!tpu.dma_semaphore, #tpu.memory_space<semaphore_mem>>)
      %dma_wait3A = arith.constant 0 : i32
      %dma_wait3A_14 = tpu.memref_slice %arg8[%mul3A_2, %dma_wait3A] : memref<10112x128xf32, #tpu.memory_space<vmem_shared>> -> memref<632x128xf32, #tpu.memory_space<vmem_shared>>
      %dma_wait3A_15 = arith.constant 0 : i32
      %dma_wait3A_16 = tpu.memref_slice %arg3[%mul3A_2, %dma_wait3A_15] : memref<10112x128xf32, #tpu.memory_space<hbm>> -> memref<632x128xf32, #tpu.memory_space<hbm>>
      tpu.wait_dma2 semaphore(%run_scoped3A : memref<!tpu.dma_semaphore, #tpu.memory_space<semaphore_mem>>) src(%dma_wait3A_16 : memref<632x128xf32, #tpu.memory_space<hbm>>) dst(%dma_wait3A_14 : memref<632x128xf32, #tpu.memory_space<vmem_shared>>)
      tpu.yield
    }) : () -> ()
    %barrier3A = arith.constant 0 : index
    tpu.barrier barrier_id(%barrier3A)
    %scan3A = arith.constant 0 : i32
    %scan3A_5 = arith.constant 0 : i32
    %scan3A_6 = arith.constant 80 : i32
    %scan3A_7 = arith.addi %scan3A_5, %scan3A_6 : i32
    %scan3A_8 = arith.constant 1 : i32
    scf.for %scan3A_11 = %scan3A_5 to %scan3A_7 step %scan3A_8  : i32 {
      %run_scoped3A = arith.constant 0 : i32
      "tpu.region"() ({
        %run_scoped3A_12 = tpu.sem_alloc : memref<!tpu.dma_semaphore, #tpu.memory_space<semaphore_mem>>
        %dma_start3A = arith.constant 0 : i32
        %dma_start3A_13 = tpu.memref_slice %arg6[%scan3A_11, %run_scoped3A, %dma_start3A] : memref<80x1x128xi32, #tpu.memory_space<vmem>> -> memref<1x1x128xi32, #tpu.memory_space<vmem>>
        %dma_start3A_14 = tpu.memref_squeeze %dma_start3A_13 : memref<1x1x128xi32, #tpu.memory_space<vmem>> -> memref<128xi32, #tpu.memory_space<vmem>>
        %dma_start3A_15 = arith.constant 0 : i32
        %dma_start3A_16 = arith.constant 0 : i32
        %dma_start3A_17 = tpu.memref_slice %arg8[%dma_start3A_15, %dma_start3A_16] : memref<10112x128xf32, #tpu.memory_space<vmem_shared>> -> memref<10112x128xf32, #tpu.memory_space<vmem_shared>>
        tpu.enqueue_indirect_dma source(%arg7 : memref<128x128xf32, #tpu.memory_space<vmem>>) target(%dma_start3A_17 : memref<10112x128xf32, #tpu.memory_space<vmem_shared>>) offsets(%dma_start3A_14 : memref<128xi32, #tpu.memory_space<vmem>>) semaphore(%run_scoped3A_12 : memref<!tpu.dma_semaphore, #tpu.memory_space<semaphore_mem>>) {add = true}
        %dma_wait3A = arith.constant 0 : i32
        %dma_wait3A_18 = tpu.memref_slice %arg6[%scan3A_11, %run_scoped3A, %dma_wait3A] : memref<80x1x128xi32, #tpu.memory_space<vmem>> -> memref<1x1x128xi32, #tpu.memory_space<vmem>>
        %dma_wait3A_19 = tpu.memref_squeeze %dma_wait3A_18 : memref<1x1x128xi32, #tpu.memory_space<vmem>> -> memref<128xi32, #tpu.memory_space<vmem>>
        %dma_wait3A_20 = arith.constant 0 : i32
        %dma_wait3A_21 = arith.constant 0 : i32
        %dma_wait3A_22 = tpu.memref_slice %arg8[%dma_wait3A_20, %dma_wait3A_21] : memref<10112x128xf32, #tpu.memory_space<vmem_shared>> -> memref<10112x128xf32, #tpu.memory_space<vmem_shared>>
        tpu.wait_indirect_dma semaphore(%run_scoped3A_12 : memref<!tpu.dma_semaphore, #tpu.memory_space<semaphore_mem>>) src(%arg7 : memref<128x128xf32, #tpu.memory_space<vmem>>) dst(%dma_wait3A_22 : memref<10112x128xf32, #tpu.memory_space<vmem_shared>>)
        tpu.yield
      }) : () -> ()
    }
    %scan3A_9 = arith.constant 80 : i32
    %barrier3A_10 = arith.constant 0 : index
    tpu.barrier barrier_id(%barrier3A_10)
    "tpu.region"() ({
      %run_scoped3A = tpu.sem_alloc : memref<!tpu.dma_semaphore, #tpu.memory_space<semaphore_mem>>
      %dma_start3A = arith.constant 0 : i32
      %dma_start3A_11 = tpu.memref_slice %arg5[%arg0, %mul3A_2, %dma_start3A] : memref<2x10112x128xf32, #tpu.memory_space<hbm>> -> memref<1x632x128xf32, #tpu.memory_space<hbm>>
      %dma_start3A_12 = tpu.memref_squeeze %dma_start3A_11 : memref<1x632x128xf32, #tpu.memory_space<hbm>> -> memref<632x128xf32, #tpu.memory_space<hbm>>
      %dma_start3A_13 = arith.constant 0 : i32
      %dma_start3A_14 = tpu.memref_slice %arg8[%mul3A_2, %dma_start3A_13] : memref<10112x128xf32, #tpu.memory_space<vmem_shared>> -> memref<632x128xf32, #tpu.memory_space<vmem_shared>>
      tpu.enqueue_dma source(%dma_start3A_14 : memref<632x128xf32, #tpu.memory_space<vmem_shared>>) target(%dma_start3A_12 : memref<632x128xf32, #tpu.memory_space<hbm>>) target_semaphore(%run_scoped3A : memref<!tpu.dma_semaphore, #tpu.memory_space<semaphore_mem>>)
      %dma_wait3A = arith.constant 0 : i32
      %dma_wait3A_15 = tpu.memref_slice %arg5[%arg0, %mul3A_2, %dma_wait3A] : memref<2x10112x128xf32, #tpu.memory_space<hbm>> -> memref<1x632x128xf32, #tpu.memory_space<hbm>>
      %dma_wait3A_16 = tpu.memref_squeeze %dma_wait3A_15 : memref<1x632x128xf32, #tpu.memory_space<hbm>> -> memref<632x128xf32, #tpu.memory_space<hbm>>
      %dma_wait3A_17 = arith.constant 0 : i32
      %dma_wait3A_18 = tpu.memref_slice %arg8[%mul3A_2, %dma_wait3A_17] : memref<10112x128xf32, #tpu.memory_space<vmem_shared>> -> memref<632x128xf32, #tpu.memory_space<vmem_shared>>
      tpu.wait_dma2 semaphore(%run_scoped3A : memref<!tpu.dma_semaphore, #tpu.memory_space<semaphore_mem>>) src(%dma_wait3A_18 : memref<632x128xf32, #tpu.memory_space<vmem_shared>>) dst(%dma_wait3A_16 : memref<632x128xf32, #tpu.memory_space<hbm>>)
      tpu.yield
    }) : () -> ()
    return
  }
}

#map = affine_map<(d0, d1) -> (0, 0)>
#map1 = affine_map<(d0, d1) -> (0)>
#map2 = affine_map<(d0, d1) -> (0, 0, 0)>
module attributes {stable_mosaic.version = 14 : i64} {
  func.func @_sc_scatter(%arg0: i32, %arg1: i32, %arg2: memref<10000x128xf32, #tpu.memory_space<hbm>>, %arg3: memref<327680xi32, #tpu.memory_space<hbm>>, %arg4: memref<327680xi32, #tpu.memory_space<hbm>>, %arg5: memref<10112x128xf32, #tpu.memory_space<hbm>>, %arg6: memref<2x10112x128xf32, #tpu.memory_space<hbm>>, %arg7: memref<128xi32, #tpu.memory_space<vmem>>, %arg8: memref<128xi32, #tpu.memory_space<vmem>>, %arg9: memref<128x128xf32, #tpu.memory_space<vmem>>, %arg10: memref<10112x128xf32, #tpu.memory_space<vmem_shared>>, %arg11: memref<!tpu.dma_semaphore, #tpu.memory_space<semaphore_mem>>) attributes {dimension_semantics = [#tpu.dimension_semantics<core_parallel>, #tpu.dimension_semantics<subcore_parallel>], iteration_bounds = array<i64: 2, 16>, scalar_prefetch = 0 : i64, scratch_operands = 5 : i64, tpu.core_type = #tpu.core_type<sc_vector_subcore>, window_params = [{transform_indices = #map}, {transform_indices = #map1}, {transform_indices = #map1}, {transform_indices = #map}, {transform_indices = #map2}]} {
    %mul3A = arith.constant 16 : i32
    %mul3A_0 = arith.muli %arg0, %mul3A : i32
    %add3A = arith.addi %mul3A_0, %arg1 : i32
    %mul3A_1 = arith.constant 632 : i32
    %mul3A_2 = arith.muli %arg1, %mul3A_1 : i32
    "tpu.region"() ({
      %run_scoped3A = tpu.sem_alloc : memref<!tpu.dma_semaphore, #tpu.memory_space<semaphore_mem>>
      %dma_start3A = arith.constant 0 : i32
      %dma_start3A_9 = tpu.memref_slice %arg10[%mul3A_2, %dma_start3A] : memref<10112x128xf32, #tpu.memory_space<vmem_shared>> -> memref<632x128xf32, #tpu.memory_space<vmem_shared>>
      %dma_start3A_10 = arith.constant 0 : i32
      %dma_start3A_11 = tpu.memref_slice %arg5[%mul3A_2, %dma_start3A_10] : memref<10112x128xf32, #tpu.memory_space<hbm>> -> memref<632x128xf32, #tpu.memory_space<hbm>>
      tpu.enqueue_dma source(%dma_start3A_11 : memref<632x128xf32, #tpu.memory_space<hbm>>) target(%dma_start3A_9 : memref<632x128xf32, #tpu.memory_space<vmem_shared>>) target_semaphore(%run_scoped3A : memref<!tpu.dma_semaphore, #tpu.memory_space<semaphore_mem>>)
      %dma_wait3A = arith.constant 0 : i32
      %dma_wait3A_12 = tpu.memref_slice %arg10[%mul3A_2, %dma_wait3A] : memref<10112x128xf32, #tpu.memory_space<vmem_shared>> -> memref<632x128xf32, #tpu.memory_space<vmem_shared>>
      %dma_wait3A_13 = arith.constant 0 : i32
      %dma_wait3A_14 = tpu.memref_slice %arg5[%mul3A_2, %dma_wait3A_13] : memref<10112x128xf32, #tpu.memory_space<hbm>> -> memref<632x128xf32, #tpu.memory_space<hbm>>
      tpu.wait_dma2 semaphore(%run_scoped3A : memref<!tpu.dma_semaphore, #tpu.memory_space<semaphore_mem>>) src(%dma_wait3A_14 : memref<632x128xf32, #tpu.memory_space<hbm>>) dst(%dma_wait3A_12 : memref<632x128xf32, #tpu.memory_space<vmem_shared>>)
      tpu.yield
    }) : () -> ()
    %barrier3A = arith.constant 0 : index
    tpu.barrier barrier_id(%barrier3A)
    %scan3A = arith.constant 0 : i32
    %scan3A_3 = arith.constant 0 : i32
    %scan3A_4 = arith.constant 80 : i32
    %scan3A_5 = arith.addi %scan3A_3, %scan3A_4 : i32
    %scan3A_6 = arith.constant 1 : i32
    scf.for %scan3A_9 = %scan3A_3 to %scan3A_5 step %scan3A_6  : i32 {
      %mul3A_10 = arith.constant 80 : i32
      %mul3A_11 = arith.muli %add3A, %mul3A_10 : i32
      %add3A_12 = arith.addi %mul3A_11, %scan3A_9 : i32
      %mul3A_13 = arith.constant 128 : i32
      %mul3A_14 = arith.muli %add3A_12, %mul3A_13 : i32
      "tpu.region"() ({
        %run_scoped3A = tpu.sem_alloc : memref<!tpu.dma_semaphore, #tpu.memory_space<semaphore_mem>>
        %dma_start3A_19 = tpu.memref_slice %arg3[%mul3A_14] : memref<327680xi32, #tpu.memory_space<hbm>> -> memref<128xi32, #tpu.memory_space<hbm>>
        %dma_start3A_20 = tpu.memref_slice %arg3[%mul3A_14] : memref<327680xi32, #tpu.memory_space<hbm>> -> memref<128xi32, #tpu.memory_space<hbm>>
        tpu.enqueue_dma source(%dma_start3A_20 : memref<128xi32, #tpu.memory_space<hbm>>) target(%arg7 : memref<128xi32, #tpu.memory_space<vmem>>) target_semaphore(%run_scoped3A : memref<!tpu.dma_semaphore, #tpu.memory_space<semaphore_mem>>)
        %dma_wait3A_21 = tpu.memref_slice %arg3[%mul3A_14] : memref<327680xi32, #tpu.memory_space<hbm>> -> memref<128xi32, #tpu.memory_space<hbm>>
        %dma_wait3A_22 = tpu.memref_slice %arg3[%mul3A_14] : memref<327680xi32, #tpu.memory_space<hbm>> -> memref<128xi32, #tpu.memory_space<hbm>>
        tpu.wait_dma2 semaphore(%run_scoped3A : memref<!tpu.dma_semaphore, #tpu.memory_space<semaphore_mem>>) src(%dma_wait3A_22 : memref<128xi32, #tpu.memory_space<hbm>>) dst(%arg7 : memref<128xi32, #tpu.memory_space<vmem>>)
        tpu.yield
      }) : () -> ()
      "tpu.region"() ({
        %run_scoped3A = tpu.sem_alloc : memref<!tpu.dma_semaphore, #tpu.memory_space<semaphore_mem>>
        %dma_start3A_19 = tpu.memref_slice %arg4[%mul3A_14] : memref<327680xi32, #tpu.memory_space<hbm>> -> memref<128xi32, #tpu.memory_space<hbm>>
        %dma_start3A_20 = tpu.memref_slice %arg4[%mul3A_14] : memref<327680xi32, #tpu.memory_space<hbm>> -> memref<128xi32, #tpu.memory_space<hbm>>
        tpu.enqueue_dma source(%dma_start3A_20 : memref<128xi32, #tpu.memory_space<hbm>>) target(%arg8 : memref<128xi32, #tpu.memory_space<vmem>>) target_semaphore(%run_scoped3A : memref<!tpu.dma_semaphore, #tpu.memory_space<semaphore_mem>>)
        %dma_wait3A_21 = tpu.memref_slice %arg4[%mul3A_14] : memref<327680xi32, #tpu.memory_space<hbm>> -> memref<128xi32, #tpu.memory_space<hbm>>
        %dma_wait3A_22 = tpu.memref_slice %arg4[%mul3A_14] : memref<327680xi32, #tpu.memory_space<hbm>> -> memref<128xi32, #tpu.memory_space<hbm>>
        tpu.wait_dma2 semaphore(%run_scoped3A : memref<!tpu.dma_semaphore, #tpu.memory_space<semaphore_mem>>) src(%dma_wait3A_22 : memref<128xi32, #tpu.memory_space<hbm>>) dst(%arg8 : memref<128xi32, #tpu.memory_space<vmem>>)
        tpu.yield
      }) : () -> ()
      %dma_start3A = arith.constant 0 : i32
      %dma_start3A_15 = arith.constant 0 : i32
      %dma_start3A_16 = tpu.memref_slice %arg2[%dma_start3A, %dma_start3A_15] : memref<10000x128xf32, #tpu.memory_space<hbm>> -> memref<10000x128xf32, #tpu.memory_space<hbm>>
      tpu.enqueue_indirect_dma source(%dma_start3A_16 : memref<10000x128xf32, #tpu.memory_space<hbm>>) target(%arg9 : memref<128x128xf32, #tpu.memory_space<vmem>>) offsets(%arg7 : memref<128xi32, #tpu.memory_space<vmem>>) semaphore(%arg11 : memref<!tpu.dma_semaphore, #tpu.memory_space<semaphore_mem>>)
      %dma_wait3A = arith.constant 0 : i32
      %dma_wait3A_17 = arith.constant 0 : i32
      %dma_wait3A_18 = tpu.memref_slice %arg2[%dma_wait3A, %dma_wait3A_17] : memref<10000x128xf32, #tpu.memory_space<hbm>> -> memref<10000x128xf32, #tpu.memory_space<hbm>>
      tpu.wait_indirect_dma semaphore(%arg11 : memref<!tpu.dma_semaphore, #tpu.memory_space<semaphore_mem>>) src(%dma_wait3A_18 : memref<10000x128xf32, #tpu.memory_space<hbm>>) dst(%arg9 : memref<128x128xf32, #tpu.memory_space<vmem>>)
      "tpu.region"() ({
        %run_scoped3A = tpu.sem_alloc : memref<!tpu.dma_semaphore, #tpu.memory_space<semaphore_mem>>
        %dma_start3A_19 = arith.constant 0 : i32
        %dma_start3A_20 = arith.constant 0 : i32
        %dma_start3A_21 = tpu.memref_slice %arg10[%dma_start3A_19, %dma_start3A_20] : memref<10112x128xf32, #tpu.memory_space<vmem_shared>> -> memref<10112x128xf32, #tpu.memory_space<vmem_shared>>
        tpu.enqueue_indirect_dma source(%arg9 : memref<128x128xf32, #tpu.memory_space<vmem>>) target(%dma_start3A_21 : memref<10112x128xf32, #tpu.memory_space<vmem_shared>>) offsets(%arg8 : memref<128xi32, #tpu.memory_space<vmem>>) semaphore(%run_scoped3A : memref<!tpu.dma_semaphore, #tpu.memory_space<semaphore_mem>>) {add = true}
        %dma_wait3A_22 = arith.constant 0 : i32
        %dma_wait3A_23 = arith.constant 0 : i32
        %dma_wait3A_24 = tpu.memref_slice %arg10[%dma_wait3A_22, %dma_wait3A_23] : memref<10112x128xf32, #tpu.memory_space<vmem_shared>> -> memref<10112x128xf32, #tpu.memory_space<vmem_shared>>
        tpu.wait_indirect_dma semaphore(%run_scoped3A : memref<!tpu.dma_semaphore, #tpu.memory_space<semaphore_mem>>) src(%arg9 : memref<128x128xf32, #tpu.memory_space<vmem>>) dst(%dma_wait3A_24 : memref<10112x128xf32, #tpu.memory_space<vmem_shared>>)
        tpu.yield
      }) : () -> ()
    }
    %scan3A_7 = arith.constant 80 : i32
    %barrier3A_8 = arith.constant 0 : index
    tpu.barrier barrier_id(%barrier3A_8)
    "tpu.region"() ({
      %run_scoped3A = tpu.sem_alloc : memref<!tpu.dma_semaphore, #tpu.memory_space<semaphore_mem>>
      %dma_start3A = arith.constant 0 : i32
      %dma_start3A_9 = tpu.memref_slice %arg6[%arg0, %mul3A_2, %dma_start3A] : memref<2x10112x128xf32, #tpu.memory_space<hbm>> -> memref<1x632x128xf32, #tpu.memory_space<hbm>>
      %dma_start3A_10 = tpu.memref_squeeze %dma_start3A_9 : memref<1x632x128xf32, #tpu.memory_space<hbm>> -> memref<632x128xf32, #tpu.memory_space<hbm>>
      %dma_start3A_11 = arith.constant 0 : i32
      %dma_start3A_12 = tpu.memref_slice %arg10[%mul3A_2, %dma_start3A_11] : memref<10112x128xf32, #tpu.memory_space<vmem_shared>> -> memref<632x128xf32, #tpu.memory_space<vmem_shared>>
      tpu.enqueue_dma source(%dma_start3A_12 : memref<632x128xf32, #tpu.memory_space<vmem_shared>>) target(%dma_start3A_10 : memref<632x128xf32, #tpu.memory_space<hbm>>) target_semaphore(%run_scoped3A : memref<!tpu.dma_semaphore, #tpu.memory_space<semaphore_mem>>)
      %dma_wait3A = arith.constant 0 : i32
      %dma_wait3A_13 = tpu.memref_slice %arg6[%arg0, %mul3A_2, %dma_wait3A] : memref<2x10112x128xf32, #tpu.memory_space<hbm>> -> memref<1x632x128xf32, #tpu.memory_space<hbm>>
      %dma_wait3A_14 = tpu.memref_squeeze %dma_wait3A_13 : memref<1x632x128xf32, #tpu.memory_space<hbm>> -> memref<632x128xf32, #tpu.memory_space<hbm>>
      %dma_wait3A_15 = arith.constant 0 : i32
      %dma_wait3A_16 = tpu.memref_slice %arg10[%mul3A_2, %dma_wait3A_15] : memref<10112x128xf32, #tpu.memory_space<vmem_shared>> -> memref<632x128xf32, #tpu.memory_space<vmem_shared>>
      tpu.wait_dma2 semaphore(%run_scoped3A : memref<!tpu.dma_semaphore, #tpu.memory_space<semaphore_mem>>) src(%dma_wait3A_16 : memref<632x128xf32, #tpu.memory_space<vmem_shared>>) dst(%dma_wait3A_14 : memref<632x128xf32, #tpu.memory_space<hbm>>)
      tpu.yield
    }) : () -> ()
    return
  }
}

#map = affine_map<(d0, d1) -> (0, 0)>
#map1 = affine_map<(d0, d1) -> (0)>
#map2 = affine_map<(d0, d1) -> (0, 0, 0)>
module attributes {stable_mosaic.version = 14 : i64} {
  func.func @_sc_scatter(%arg0: i32, %arg1: i32, %arg2: memref<10000x128xf32, #tpu.memory_space<hbm>>, %arg3: memref<327680xi32, #tpu.memory_space<hbm>>, %arg4: memref<327680xi32, #tpu.memory_space<hbm>>, %arg5: memref<10112x128xf32, #tpu.memory_space<hbm>>, %arg6: memref<2x10112x128xf32, #tpu.memory_space<hbm>>, %arg7: memref<128xi32, #tpu.memory_space<vmem>>, %arg8: memref<128xi32, #tpu.memory_space<vmem>>, %arg9: memref<128x128xf32, #tpu.memory_space<vmem>>, %arg10: memref<10112x128xf32, #tpu.memory_space<vmem_shared>>, %arg11: memref<!tpu.dma_semaphore, #tpu.memory_space<semaphore_mem>>) attributes {dimension_semantics = [#tpu.dimension_semantics<core_parallel>, #tpu.dimension_semantics<subcore_parallel>], iteration_bounds = array<i64: 2, 16>, scalar_prefetch = 0 : i64, scratch_operands = 5 : i64, tpu.core_type = #tpu.core_type<sc_vector_subcore>, window_params = [{transform_indices = #map}, {transform_indices = #map1}, {transform_indices = #map1}, {transform_indices = #map}, {transform_indices = #map2}]} {
    %mul3A = arith.constant 16 : i32
    %mul3A_0 = arith.muli %arg0, %mul3A : i32
    %add3A = arith.addi %mul3A_0, %arg1 : i32
    %mul3A_1 = arith.constant 632 : i32
    %mul3A_2 = arith.muli %arg1, %mul3A_1 : i32
    "tpu.region"() ({
      %run_scoped3A = tpu.sem_alloc : memref<!tpu.dma_semaphore, #tpu.memory_space<semaphore_mem>>
      %dma_start3A = arith.constant 0 : i32
      %dma_start3A_9 = tpu.memref_slice %arg10[%mul3A_2, %dma_start3A] : memref<10112x128xf32, #tpu.memory_space<vmem_shared>> -> memref<632x128xf32, #tpu.memory_space<vmem_shared>>
      %dma_start3A_10 = arith.constant 0 : i32
      %dma_start3A_11 = tpu.memref_slice %arg5[%mul3A_2, %dma_start3A_10] : memref<10112x128xf32, #tpu.memory_space<hbm>> -> memref<632x128xf32, #tpu.memory_space<hbm>>
      tpu.enqueue_dma source(%dma_start3A_11 : memref<632x128xf32, #tpu.memory_space<hbm>>) target(%dma_start3A_9 : memref<632x128xf32, #tpu.memory_space<vmem_shared>>) target_semaphore(%run_scoped3A : memref<!tpu.dma_semaphore, #tpu.memory_space<semaphore_mem>>)
      %dma_wait3A = arith.constant 0 : i32
      %dma_wait3A_12 = tpu.memref_slice %arg10[%mul3A_2, %dma_wait3A] : memref<10112x128xf32, #tpu.memory_space<vmem_shared>> -> memref<632x128xf32, #tpu.memory_space<vmem_shared>>
      %dma_wait3A_13 = arith.constant 0 : i32
      %dma_wait3A_14 = tpu.memref_slice %arg5[%mul3A_2, %dma_wait3A_13] : memref<10112x128xf32, #tpu.memory_space<hbm>> -> memref<632x128xf32, #tpu.memory_space<hbm>>
      tpu.wait_dma2 semaphore(%run_scoped3A : memref<!tpu.dma_semaphore, #tpu.memory_space<semaphore_mem>>) src(%dma_wait3A_14 : memref<632x128xf32, #tpu.memory_space<hbm>>) dst(%dma_wait3A_12 : memref<632x128xf32, #tpu.memory_space<vmem_shared>>)
      tpu.yield
    }) : () -> ()
    %barrier3A = arith.constant 0 : index
    tpu.barrier barrier_id(%barrier3A)
    %scan3A = arith.constant 0 : i32
    %scan3A_3 = arith.constant 0 : i32
    %scan3A_4 = arith.constant 80 : i32
    %scan3A_5 = arith.addi %scan3A_3, %scan3A_4 : i32
    %scan3A_6 = arith.constant 1 : i32
    scf.for %scan3A_9 = %scan3A_3 to %scan3A_5 step %scan3A_6  : i32 {
      %mul3A_10 = arith.constant 80 : i32
      %mul3A_11 = arith.muli %add3A, %mul3A_10 : i32
      %add3A_12 = arith.addi %mul3A_11, %scan3A_9 : i32
      %mul3A_13 = arith.constant 128 : i32
      %mul3A_14 = arith.muli %add3A_12, %mul3A_13 : i32
      "tpu.region"() ({
        %run_scoped3A = tpu.sem_alloc : memref<!tpu.dma_semaphore, #tpu.memory_space<semaphore_mem>>
        %dma_start3A_19 = tpu.memref_slice %arg3[%mul3A_14] : memref<327680xi32, #tpu.memory_space<hbm>> -> memref<128xi32, #tpu.memory_space<hbm>>
        %dma_start3A_20 = tpu.memref_slice %arg3[%mul3A_14] : memref<327680xi32, #tpu.memory_space<hbm>> -> memref<128xi32, #tpu.memory_space<hbm>>
        tpu.enqueue_dma source(%dma_start3A_20 : memref<128xi32, #tpu.memory_space<hbm>>) target(%arg7 : memref<128xi32, #tpu.memory_space<vmem>>) target_semaphore(%run_scoped3A : memref<!tpu.dma_semaphore, #tpu.memory_space<semaphore_mem>>)
        %dma_wait3A_21 = tpu.memref_slice %arg3[%mul3A_14] : memref<327680xi32, #tpu.memory_space<hbm>> -> memref<128xi32, #tpu.memory_space<hbm>>
        %dma_wait3A_22 = tpu.memref_slice %arg3[%mul3A_14] : memref<327680xi32, #tpu.memory_space<hbm>> -> memref<128xi32, #tpu.memory_space<hbm>>
        tpu.wait_dma2 semaphore(%run_scoped3A : memref<!tpu.dma_semaphore, #tpu.memory_space<semaphore_mem>>) src(%dma_wait3A_22 : memref<128xi32, #tpu.memory_space<hbm>>) dst(%arg7 : memref<128xi32, #tpu.memory_space<vmem>>)
        tpu.yield
      }) : () -> ()
      "tpu.region"() ({
        %run_scoped3A = tpu.sem_alloc : memref<!tpu.dma_semaphore, #tpu.memory_space<semaphore_mem>>
        %dma_start3A_19 = tpu.memref_slice %arg4[%mul3A_14] : memref<327680xi32, #tpu.memory_space<hbm>> -> memref<128xi32, #tpu.memory_space<hbm>>
        %dma_start3A_20 = tpu.memref_slice %arg4[%mul3A_14] : memref<327680xi32, #tpu.memory_space<hbm>> -> memref<128xi32, #tpu.memory_space<hbm>>
        tpu.enqueue_dma source(%dma_start3A_20 : memref<128xi32, #tpu.memory_space<hbm>>) target(%arg8 : memref<128xi32, #tpu.memory_space<vmem>>) target_semaphore(%run_scoped3A : memref<!tpu.dma_semaphore, #tpu.memory_space<semaphore_mem>>)
        %dma_wait3A_21 = tpu.memref_slice %arg4[%mul3A_14] : memref<327680xi32, #tpu.memory_space<hbm>> -> memref<128xi32, #tpu.memory_space<hbm>>
        %dma_wait3A_22 = tpu.memref_slice %arg4[%mul3A_14] : memref<327680xi32, #tpu.memory_space<hbm>> -> memref<128xi32, #tpu.memory_space<hbm>>
        tpu.wait_dma2 semaphore(%run_scoped3A : memref<!tpu.dma_semaphore, #tpu.memory_space<semaphore_mem>>) src(%dma_wait3A_22 : memref<128xi32, #tpu.memory_space<hbm>>) dst(%arg8 : memref<128xi32, #tpu.memory_space<vmem>>)
        tpu.yield
      }) : () -> ()
      %dma_start3A = arith.constant 0 : i32
      %dma_start3A_15 = arith.constant 0 : i32
      %dma_start3A_16 = tpu.memref_slice %arg2[%dma_start3A, %dma_start3A_15] : memref<10000x128xf32, #tpu.memory_space<hbm>> -> memref<10000x128xf32, #tpu.memory_space<hbm>>
      tpu.enqueue_indirect_dma source(%dma_start3A_16 : memref<10000x128xf32, #tpu.memory_space<hbm>>) target(%arg9 : memref<128x128xf32, #tpu.memory_space<vmem>>) offsets(%arg7 : memref<128xi32, #tpu.memory_space<vmem>>) semaphore(%arg11 : memref<!tpu.dma_semaphore, #tpu.memory_space<semaphore_mem>>)
      %dma_wait3A = arith.constant 0 : i32
      %dma_wait3A_17 = arith.constant 0 : i32
      %dma_wait3A_18 = tpu.memref_slice %arg2[%dma_wait3A, %dma_wait3A_17] : memref<10000x128xf32, #tpu.memory_space<hbm>> -> memref<10000x128xf32, #tpu.memory_space<hbm>>
      tpu.wait_indirect_dma semaphore(%arg11 : memref<!tpu.dma_semaphore, #tpu.memory_space<semaphore_mem>>) src(%dma_wait3A_18 : memref<10000x128xf32, #tpu.memory_space<hbm>>) dst(%arg9 : memref<128x128xf32, #tpu.memory_space<vmem>>)
      "tpu.region"() ({
        %run_scoped3A = tpu.sem_alloc : memref<!tpu.dma_semaphore, #tpu.memory_space<semaphore_mem>>
        %dma_start3A_19 = arith.constant 0 : i32
        %dma_start3A_20 = arith.constant 0 : i32
        %dma_start3A_21 = tpu.memref_slice %arg10[%dma_start3A_19, %dma_start3A_20] : memref<10112x128xf32, #tpu.memory_space<vmem_shared>> -> memref<10112x128xf32, #tpu.memory_space<vmem_shared>>
        tpu.enqueue_indirect_dma source(%arg9 : memref<128x128xf32, #tpu.memory_space<vmem>>) target(%dma_start3A_21 : memref<10112x128xf32, #tpu.memory_space<vmem_shared>>) offsets(%arg8 : memref<128xi32, #tpu.memory_space<vmem>>) semaphore(%run_scoped3A : memref<!tpu.dma_semaphore, #tpu.memory_space<semaphore_mem>>) {add = true}
        %dma_wait3A_22 = arith.constant 0 : i32
        %dma_wait3A_23 = arith.constant 0 : i32
        %dma_wait3A_24 = tpu.memref_slice %arg10[%dma_wait3A_22, %dma_wait3A_23] : memref<10112x128xf32, #tpu.memory_space<vmem_shared>> -> memref<10112x128xf32, #tpu.memory_space<vmem_shared>>
        tpu.wait_indirect_dma semaphore(%run_scoped3A : memref<!tpu.dma_semaphore, #tpu.memory_space<semaphore_mem>>) src(%arg9 : memref<128x128xf32, #tpu.memory_space<vmem>>) dst(%dma_wait3A_24 : memref<10112x128xf32, #tpu.memory_space<vmem_shared>>)
        tpu.yield
      }) : () -> ()
    }
    %scan3A_7 = arith.constant 80 : i32
    %barrier3A_8 = arith.constant 0 : index
    tpu.barrier barrier_id(%barrier3A_8)
    "tpu.region"() ({
      %run_scoped3A = tpu.sem_alloc : memref<!tpu.dma_semaphore, #tpu.memory_space<semaphore_mem>>
      %dma_start3A = arith.constant 0 : i32
      %dma_start3A_9 = tpu.memref_slice %arg6[%arg0, %mul3A_2, %dma_start3A] : memref<2x10112x128xf32, #tpu.memory_space<hbm>> -> memref<1x632x128xf32, #tpu.memory_space<hbm>>
      %dma_start3A_10 = tpu.memref_squeeze %dma_start3A_9 : memref<1x632x128xf32, #tpu.memory_space<hbm>> -> memref<632x128xf32, #tpu.memory_space<hbm>>
      %dma_start3A_11 = arith.constant 0 : i32
      %dma_start3A_12 = tpu.memref_slice %arg10[%mul3A_2, %dma_start3A_11] : memref<10112x128xf32, #tpu.memory_space<vmem_shared>> -> memref<632x128xf32, #tpu.memory_space<vmem_shared>>
      tpu.enqueue_dma source(%dma_start3A_12 : memref<632x128xf32, #tpu.memory_space<vmem_shared>>) target(%dma_start3A_10 : memref<632x128xf32, #tpu.memory_space<hbm>>) target_semaphore(%run_scoped3A : memref<!tpu.dma_semaphore, #tpu.memory_space<semaphore_mem>>)
      %dma_wait3A = arith.constant 0 : i32
      %dma_wait3A_13 = tpu.memref_slice %arg6[%arg0, %mul3A_2, %dma_wait3A] : memref<2x10112x128xf32, #tpu.memory_space<hbm>> -> memref<1x632x128xf32, #tpu.memory_space<hbm>>
      %dma_wait3A_14 = tpu.memref_squeeze %dma_wait3A_13 : memref<1x632x128xf32, #tpu.memory_space<hbm>> -> memref<632x128xf32, #tpu.memory_space<hbm>>
      %dma_wait3A_15 = arith.constant 0 : i32
      %dma_wait3A_16 = tpu.memref_slice %arg10[%mul3A_2, %dma_wait3A_15] : memref<10112x128xf32, #tpu.memory_space<vmem_shared>> -> memref<632x128xf32, #tpu.memory_space<vmem_shared>>
      tpu.wait_dma2 semaphore(%run_scoped3A : memref<!tpu.dma_semaphore, #tpu.memory_space<semaphore_mem>>) src(%dma_wait3A_16 : memref<632x128xf32, #tpu.memory_space<vmem_shared>>) dst(%dma_wait3A_14 : memref<632x128xf32, #tpu.memory_space<hbm>>)
      tpu.yield
    }) : () -> ()
    return
  }
}

module attributes {stable_mosaic.version = 14 : i64} {
  func.func @_tc0_body(%arg0: memref<10000x128xf32, #tpu.memory_space<vmem>>, %arg1: memref<2x10112x128xf32, #tpu.memory_space<vmem>>, %arg2: memref<128x128xf32, #tpu.memory_space<vmem>>, %arg3: memref<1x128xf32, #tpu.memory_space<vmem>>, %arg4: memref<1x1xf32, #tpu.memory_space<vmem>>, %arg5: memref<128x64xf32, #tpu.memory_space<vmem>>, %arg6: memref<1x64xf32, #tpu.memory_space<vmem>>, %arg7: memref<10000x128xf32, #tpu.memory_space<vmem>>, %arg8: memref<1x64xf32, #tpu.memory_space<vmem>>) attributes {dimension_semantics = [], scalar_prefetch = 0 : i64, scratch_operands = 0 : i64, tpu.core_type = #tpu.core_type<tc>} {
    %get3A = arith.constant 0 : index
    %get3A_0 = arith.constant 0 : index
    %get3A_1 = vector.load %arg0[%get3A, %get3A_0] : memref<10000x128xf32, #tpu.memory_space<vmem>>, vector<10000x128xf32>
    %get3A_2 = arith.constant 0 : index
    %get3A_3 = arith.constant 0 : index
    %get3A_4 = arith.constant 0 : index
    %get3A_5 = vector.load %arg1[%get3A_2, %get3A_3, %get3A_4] : memref<2x10112x128xf32, #tpu.memory_space<vmem>>, vector<1x10112x128xf32>
    %get3A_6 = vector.shape_cast %get3A_5 : vector<1x10112x128xf32> to vector<10112x128xf32>
    %slice3A = vector.extract_strided_slice %get3A_6 {offsets = [0, 0], sizes = [10000, 1], strides = [1, 1]} : vector<10112x128xf32> to vector<10000x1xf32>
    %get3A_7 = arith.constant 1 : index
    %get3A_8 = arith.constant 0 : index
    %get3A_9 = arith.constant 0 : index
    %get3A_10 = vector.load %arg1[%get3A_7, %get3A_8, %get3A_9] : memref<2x10112x128xf32, #tpu.memory_space<vmem>>, vector<1x10112x128xf32>
    %get3A_11 = vector.shape_cast %get3A_10 : vector<1x10112x128xf32> to vector<10112x128xf32>
    %slice3A_12 = vector.extract_strided_slice %get3A_11 {offsets = [0, 0], sizes = [10000, 1], strides = [1, 1]} : vector<10112x128xf32> to vector<10000x1xf32>
    %add3A = arith.addf %slice3A, %slice3A_12 : vector<10000x1xf32>
    %add3A_13 = arith.constant 1.000000e+00 : f32
    %add3A_14 = vector.broadcast %add3A_13 : f32 to vector<10000x1xf32>
    %add3A_15 = arith.addf %add3A, %add3A_14 : vector<10000x1xf32>
    %rsqrt3A = math.rsqrt %add3A_15 : vector<10000x1xf32>
    %get3A_16 = arith.constant 0 : index
    %get3A_17 = arith.constant 0 : index
    %get3A_18 = vector.load %arg3[%get3A_16, %get3A_17] : memref<1x128xf32, #tpu.memory_space<vmem>>, vector<1x128xf32>
    %get3A_19 = arith.constant 0 : index
    %get3A_20 = arith.constant 0 : index
    %get3A_21 = vector.load %arg4[%get3A_19, %get3A_20] : memref<1x1xf32, #tpu.memory_space<vmem>>, vector<1x1xf32>
    %get3A_22 = arith.constant 0 : index
    %get3A_23 = arith.constant 0 : index
    %get3A_24 = vector.load %arg5[%get3A_22, %get3A_23] : memref<128x64xf32, #tpu.memory_space<vmem>>, vector<128x64xf32>
    %get3A_25 = arith.constant 0 : index
    %get3A_26 = arith.constant 0 : index
    %get3A_27 = vector.load %arg6[%get3A_25, %get3A_26] : memref<1x64xf32, #tpu.memory_space<vmem>>, vector<1x64xf32>
    %mul3A = vector.broadcast %get3A_18 : vector<1x128xf32> to vector<10000x128xf32>
    %mul3A_28 = arith.mulf %get3A_1, %mul3A : vector<10000x128xf32>
    %reduce_sum3A = arith.constant dense<0.000000e+00> : vector<10000xf32>
    %reduce_sum3A_29 = vector.multi_reduction <add>, %mul3A_28, %reduce_sum3A [1] : vector<10000x128xf32> to vector<10000xf32>
    %broadcast_in_dim3A = vector.shape_cast %reduce_sum3A_29 : vector<10000xf32> to vector<10000x1xf32>
    %add3A_30 = vector.broadcast %get3A_21 : vector<1x1xf32> to vector<10000x1xf32>
    %add3A_31 = arith.addf %broadcast_in_dim3A, %add3A_30 : vector<10000x1xf32>
    %reduce_max3A = vector.shape_cast %add3A_31 : vector<10000x1xf32> to vector<1x10000x1xf32>
    %reduce_max3A_32 = arith.constant dense<0xFF800000> : vector<1xf32>
    %reduce_max3A_33 = vector.multi_reduction <maximumf>, %reduce_max3A, %reduce_max3A_32 [1, 2] : vector<1x10000x1xf32> to vector<1xf32>
    %reduce_max3A_34 = vector.shape_cast %reduce_max3A_33 : vector<1xf32> to vector<1x1x1xf32>
    %reduce_max3A_35 = vector.extract %reduce_max3A_34[0, 0, 0] : f32 from vector<1x1x1xf32>
    %sub3A = vector.broadcast %reduce_max3A_35 : f32 to vector<10000x1xf32>
    %sub3A_36 = arith.subf %add3A_31, %sub3A : vector<10000x1xf32>
    %exp3A = math.exp %sub3A_36 : vector<10000x1xf32>
    %mul3A_37 = vector.broadcast %exp3A : vector<10000x1xf32> to vector<10000x128xf32>
    %mul3A_38 = arith.mulf %get3A_1, %mul3A_37 : vector<10000x128xf32>
    %reduce_sum3A_39 = arith.constant dense<0.000000e+00> : vector<128xf32>
    %reduce_sum3A_40 = vector.multi_reduction <add>, %mul3A_38, %reduce_sum3A_39 [0] : vector<10000x128xf32> to vector<128xf32>
    %broadcast_in_dim3A_41 = vector.shape_cast %reduce_sum3A_40 : vector<128xf32> to vector<1x128xf32>
    %reduce_sum3A_42 = vector.shape_cast %exp3A : vector<10000x1xf32> to vector<1x10000x1xf32>
    %reduce_sum3A_43 = arith.constant dense<0.000000e+00> : vector<1xf32>
    %reduce_sum3A_44 = vector.multi_reduction <add>, %reduce_sum3A_42, %reduce_sum3A_43 [1, 2] : vector<1x10000x1xf32> to vector<1xf32>
    %reduce_sum3A_45 = vector.shape_cast %reduce_sum3A_44 : vector<1xf32> to vector<1x1x1xf32>
    %reduce_sum3A_46 = vector.extract %reduce_sum3A_45[0, 0, 0] : f32 from vector<1x1x1xf32>
    %div3A = vector.broadcast %reduce_sum3A_46 : f32 to vector<1x128xf32>
    %div3A_47 = arith.divf %broadcast_in_dim3A_41, %div3A : vector<1x128xf32>
    %dot_general3A = arith.constant dense<0.000000e+00> : vector<1x64xf32>
    %dot_general3A_48 = tpu.matmul %div3A_47, %get3A_24, %dot_general3A {dimension_numbers = #tpu.dot_dimension_numbers<[1], [0], [0], [1], [0, 0, 1, 1], [], []>, transpose_lhs_hint = false} : vector<1x128xf32>, vector<128x64xf32>, vector<1x64xf32> -> vector<1x64xf32>
    %add3A_49 = arith.addf %dot_general3A_48, %get3A_27 : vector<1x64xf32>
    %swap3A = arith.constant 0 : index
    %swap3A_50 = arith.constant 0 : index
    %swap3A_51 = vector.load %arg8[%swap3A, %swap3A_50] : memref<1x64xf32, #tpu.memory_space<vmem>>, vector<1x64xf32>
    tpu.vector_store %arg8[%swap3A, %swap3A_50], %add3A_49 {strides = array<i32>} : memref<1x64xf32, #tpu.memory_space<vmem>>, vector<1x64xf32>,
    %get3A_52 = arith.constant 0 : index
    %get3A_53 = arith.constant 0 : index
    %get3A_54 = vector.load %arg2[%get3A_52, %get3A_53] : memref<128x128xf32, #tpu.memory_space<vmem>>, vector<128x128xf32>
    %dot_general3A_55 = arith.constant dense<0.000000e+00> : vector<10000x128xf32>
    %dot_general3A_56 = tpu.matmul %get3A_1, %get3A_54, %dot_general3A_55 {dimension_numbers = #tpu.dot_dimension_numbers<[1], [0], [0], [1], [0, 0, 1, 1], [], []>, transpose_lhs_hint = false} : vector<10000x128xf32>, vector<128x128xf32>, vector<10000x128xf32> -> vector<10000x128xf32>
    %mul3A_57 = vector.broadcast %rsqrt3A : vector<10000x1xf32> to vector<10000x128xf32>
    %mul3A_58 = arith.mulf %dot_general3A_56, %mul3A_57 : vector<10000x128xf32>
    %swap3A_59 = arith.constant 0 : index
    %swap3A_60 = arith.constant 0 : index
    %swap3A_61 = vector.load %arg7[%swap3A_59, %swap3A_60] : memref<10000x128xf32, #tpu.memory_space<vmem>>, vector<10000x128xf32>
    tpu.vector_store %arg7[%swap3A_59, %swap3A_60], %mul3A_58 {strides = array<i32>} : memref<10000x128xf32, #tpu.memory_space<vmem>>, vector<10000x128xf32>,
    return
  }
}

module attributes {stable_mosaic.version = 14 : i64} {
  func.func @_tcfin_body(%arg0: memref<2x10112x128xf32, #tpu.memory_space<vmem>>, %arg1: memref<10000x128xf32, #tpu.memory_space<vmem>>, %arg2: memref<2x10112x128xf32, #tpu.memory_space<vmem>>, %arg3: memref<1x128xf32, #tpu.memory_space<vmem>>, %arg4: memref<1x128xf32, #tpu.memory_space<vmem>>, %arg5: memref<1x1xf32, #tpu.memory_space<vmem>>, %arg6: memref<128x64xf32, #tpu.memory_space<vmem>>, %arg7: memref<1x64xf32, #tpu.memory_space<vmem>>, %arg8: memref<1x64xf32, #tpu.memory_space<vmem>>, %arg9: memref<1x64xf32, #tpu.memory_space<vmem>>, %arg10: memref<1x64xf32, #tpu.memory_space<vmem>>, %arg11: memref<1x1xf32, #tpu.memory_space<vmem>>, %arg12: memref<1x64xf32, #tpu.memory_space<vmem>>, %arg13: memref<1x1xf32, #tpu.memory_space<vmem>>) attributes {dimension_semantics = [], scalar_prefetch = 0 : i64, scratch_operands = 0 : i64, tpu.core_type = #tpu.core_type<tc>} {
    %get3A = arith.constant 0 : index
    %get3A_0 = arith.constant 0 : index
    %get3A_1 = arith.constant 0 : index
    %get3A_2 = vector.load %arg2[%get3A, %get3A_0, %get3A_1] : memref<2x10112x128xf32, #tpu.memory_space<vmem>>, vector<1x10112x128xf32>
    %get3A_3 = vector.shape_cast %get3A_2 : vector<1x10112x128xf32> to vector<10112x128xf32>
    %slice3A = vector.extract_strided_slice %get3A_3 {offsets = [0, 0], sizes = [10000, 1], strides = [1, 1]} : vector<10112x128xf32> to vector<10000x1xf32>
    %get3A_4 = arith.constant 1 : index
    %get3A_5 = arith.constant 0 : index
    %get3A_6 = arith.constant 0 : index
    %get3A_7 = vector.load %arg2[%get3A_4, %get3A_5, %get3A_6] : memref<2x10112x128xf32, #tpu.memory_space<vmem>>, vector<1x10112x128xf32>
    %get3A_8 = vector.shape_cast %get3A_7 : vector<1x10112x128xf32> to vector<10112x128xf32>
    %slice3A_9 = vector.extract_strided_slice %get3A_8 {offsets = [0, 0], sizes = [10000, 1], strides = [1, 1]} : vector<10112x128xf32> to vector<10000x1xf32>
    %add3A = arith.addf %slice3A, %slice3A_9 : vector<10000x1xf32>
    %add3A_10 = arith.constant 1.000000e+00 : f32
    %add3A_11 = vector.broadcast %add3A_10 : f32 to vector<10000x1xf32>
    %add3A_12 = arith.addf %add3A, %add3A_11 : vector<10000x1xf32>
    %rsqrt3A = math.rsqrt %add3A_12 : vector<10000x1xf32>
    %get3A_13 = arith.constant 0 : index
    %get3A_14 = arith.constant 0 : index
    %get3A_15 = arith.constant 0 : index
    %get3A_16 = vector.load %arg0[%get3A_13, %get3A_14, %get3A_15] : memref<2x10112x128xf32, #tpu.memory_space<vmem>>, vector<1x10112x128xf32>
    %get3A_17 = vector.shape_cast %get3A_16 : vector<1x10112x128xf32> to vector<10112x128xf32>
    %slice3A_18 = vector.extract_strided_slice %get3A_17 {offsets = [0, 0], sizes = [10000, 128], strides = [1, 1]} : vector<10112x128xf32> to vector<10000x128xf32>
    %get3A_19 = arith.constant 1 : index
    %get3A_20 = arith.constant 0 : index
    %get3A_21 = arith.constant 0 : index
    %get3A_22 = vector.load %arg0[%get3A_19, %get3A_20, %get3A_21] : memref<2x10112x128xf32, #tpu.memory_space<vmem>>, vector<1x10112x128xf32>
    %get3A_23 = vector.shape_cast %get3A_22 : vector<1x10112x128xf32> to vector<10112x128xf32>
    %slice3A_24 = vector.extract_strided_slice %get3A_23 {offsets = [0, 0], sizes = [10000, 128], strides = [1, 1]} : vector<10112x128xf32> to vector<10000x128xf32>
    %add3A_25 = arith.addf %slice3A_18, %slice3A_24 : vector<10000x128xf32>
    %get3A_26 = arith.constant 0 : index
    %get3A_27 = arith.constant 0 : index
    %get3A_28 = vector.load %arg1[%get3A_26, %get3A_27] : memref<10000x128xf32, #tpu.memory_space<vmem>>, vector<10000x128xf32>
    %add3A_29 = arith.addf %add3A_25, %get3A_28 : vector<10000x128xf32>
    %mul3A = vector.broadcast %rsqrt3A : vector<10000x1xf32> to vector<10000x128xf32>
    %mul3A_30 = arith.mulf %add3A_29, %mul3A : vector<10000x128xf32>
    %get3A_31 = arith.constant 0 : index
    %get3A_32 = arith.constant 0 : index
    %get3A_33 = vector.load %arg3[%get3A_31, %get3A_32] : memref<1x128xf32, #tpu.memory_space<vmem>>, vector<1x128xf32>
    %add3A_34 = vector.broadcast %get3A_33 : vector<1x128xf32> to vector<10000x128xf32>
    %add3A_35 = arith.addf %mul3A_30, %add3A_34 : vector<10000x128xf32>
    %get3A_36 = arith.constant 0 : index
    %get3A_37 = arith.constant 0 : index
    %get3A_38 = vector.load %arg4[%get3A_36, %get3A_37] : memref<1x128xf32, #tpu.memory_space<vmem>>, vector<1x128xf32>
    %get3A_39 = arith.constant 0 : index
    %get3A_40 = arith.constant 0 : index
    %get3A_41 = vector.load %arg5[%get3A_39, %get3A_40] : memref<1x1xf32, #tpu.memory_space<vmem>>, vector<1x1xf32>
    %get3A_42 = arith.constant 0 : index
    %get3A_43 = arith.constant 0 : index
    %get3A_44 = vector.load %arg6[%get3A_42, %get3A_43] : memref<128x64xf32, #tpu.memory_space<vmem>>, vector<128x64xf32>
    %get3A_45 = arith.constant 0 : index
    %get3A_46 = arith.constant 0 : index
    %get3A_47 = vector.load %arg7[%get3A_45, %get3A_46] : memref<1x64xf32, #tpu.memory_space<vmem>>, vector<1x64xf32>
    %mul3A_48 = vector.broadcast %get3A_38 : vector<1x128xf32> to vector<10000x128xf32>
    %mul3A_49 = arith.mulf %add3A_35, %mul3A_48 : vector<10000x128xf32>
    %reduce_sum3A = arith.constant dense<0.000000e+00> : vector<10000xf32>
    %reduce_sum3A_50 = vector.multi_reduction <add>, %mul3A_49, %reduce_sum3A [1] : vector<10000x128xf32> to vector<10000xf32>
    %broadcast_in_dim3A = vector.shape_cast %reduce_sum3A_50 : vector<10000xf32> to vector<10000x1xf32>
    %add3A_51 = vector.broadcast %get3A_41 : vector<1x1xf32> to vector<10000x1xf32>
    %add3A_52 = arith.addf %broadcast_in_dim3A, %add3A_51 : vector<10000x1xf32>
    %reduce_max3A = vector.shape_cast %add3A_52 : vector<10000x1xf32> to vector<1x10000x1xf32>
    %reduce_max3A_53 = arith.constant dense<0xFF800000> : vector<1xf32>
    %reduce_max3A_54 = vector.multi_reduction <maximumf>, %reduce_max3A, %reduce_max3A_53 [1, 2] : vector<1x10000x1xf32> to vector<1xf32>
    %reduce_max3A_55 = vector.shape_cast %reduce_max3A_54 : vector<1xf32> to vector<1x1x1xf32>
    %reduce_max3A_56 = vector.extract %reduce_max3A_55[0, 0, 0] : f32 from vector<1x1x1xf32>
    %sub3A = vector.broadcast %reduce_max3A_56 : f32 to vector<10000x1xf32>
    %sub3A_57 = arith.subf %add3A_52, %sub3A : vector<10000x1xf32>
    %exp3A = math.exp %sub3A_57 : vector<10000x1xf32>
    %mul3A_58 = vector.broadcast %exp3A : vector<10000x1xf32> to vector<10000x128xf32>
    %mul3A_59 = arith.mulf %add3A_35, %mul3A_58 : vector<10000x128xf32>
    %reduce_sum3A_60 = arith.constant dense<0.000000e+00> : vector<128xf32>
    %reduce_sum3A_61 = vector.multi_reduction <add>, %mul3A_59, %reduce_sum3A_60 [0] : vector<10000x128xf32> to vector<128xf32>
    %broadcast_in_dim3A_62 = vector.shape_cast %reduce_sum3A_61 : vector<128xf32> to vector<1x128xf32>
    %reduce_sum3A_63 = vector.shape_cast %exp3A : vector<10000x1xf32> to vector<1x10000x1xf32>
    %reduce_sum3A_64 = arith.constant dense<0.000000e+00> : vector<1xf32>
    %reduce_sum3A_65 = vector.multi_reduction <add>, %reduce_sum3A_63, %reduce_sum3A_64 [1, 2] : vector<1x10000x1xf32> to vector<1xf32>
    %reduce_sum3A_66 = vector.shape_cast %reduce_sum3A_65 : vector<1xf32> to vector<1x1x1xf32>
    %reduce_sum3A_67 = vector.extract %reduce_sum3A_66[0, 0, 0] : f32 from vector<1x1x1xf32>
    %div3A = vector.broadcast %reduce_sum3A_67 : f32 to vector<1x128xf32>
    %div3A_68 = arith.divf %broadcast_in_dim3A_62, %div3A : vector<1x128xf32>
    %dot_general3A = arith.constant dense<0.000000e+00> : vector<1x64xf32>
    %dot_general3A_69 = tpu.matmul %div3A_68, %get3A_44, %dot_general3A {dimension_numbers = #tpu.dot_dimension_numbers<[1], [0], [0], [1], [0, 0, 1, 1], [], []>, transpose_lhs_hint = false} : vector<1x128xf32>, vector<128x64xf32>, vector<1x64xf32> -> vector<1x64xf32>
    %add3A_70 = arith.addf %dot_general3A_69, %get3A_47 : vector<1x64xf32>
    %get3A_71 = arith.constant 0 : index
    %get3A_72 = arith.constant 0 : index
    %get3A_73 = vector.load %arg8[%get3A_71, %get3A_72] : memref<1x64xf32, #tpu.memory_space<vmem>>, vector<1x64xf32>
    %get3A_74 = arith.constant 0 : index
    %get3A_75 = arith.constant 0 : index
    %get3A_76 = vector.load %arg9[%get3A_74, %get3A_75] : memref<1x64xf32, #tpu.memory_space<vmem>>, vector<1x64xf32>
    %add3A_77 = arith.addf %get3A_73, %get3A_76 : vector<1x64xf32>
    %get3A_78 = arith.constant 0 : index
    %get3A_79 = arith.constant 0 : index
    %get3A_80 = vector.load %arg10[%get3A_78, %get3A_79] : memref<1x64xf32, #tpu.memory_space<vmem>>, vector<1x64xf32>
    %add3A_81 = arith.addf %add3A_77, %get3A_80 : vector<1x64xf32>
    %add3A_82 = arith.addf %add3A_81, %add3A_70 : vector<1x64xf32>
    %mul3A_83 = arith.constant 2.500000e-01 : f32
    %mul3A_84 = vector.broadcast %mul3A_83 : f32 to vector<1x64xf32>
    %mul3A_85 = arith.mulf %add3A_82, %mul3A_84 : vector<1x64xf32>
    %get3A_86 = arith.constant 0 : index
    %get3A_87 = arith.constant 0 : index
    %get3A_88 = vector.load %arg12[%get3A_86, %get3A_87] : memref<1x64xf32, #tpu.memory_space<vmem>>, vector<1x64xf32>
    %mul3A_89 = arith.mulf %mul3A_85, %get3A_88 : vector<1x64xf32>
    %reduce_sum3A_90 = vector.shape_cast %mul3A_89 : vector<1x64xf32> to vector<1x1x64xf32>
    %reduce_sum3A_91 = arith.constant dense<0.000000e+00> : vector<1xf32>
    %reduce_sum3A_92 = vector.multi_reduction <add>, %reduce_sum3A_90, %reduce_sum3A_91 [1, 2] : vector<1x1x64xf32> to vector<1xf32>
    %reduce_sum3A_93 = vector.shape_cast %reduce_sum3A_92 : vector<1xf32> to vector<1x1x1xf32>
    %reduce_sum3A_94 = vector.extract %reduce_sum3A_93[0, 0, 0] : f32 from vector<1x1x1xf32>
    %get3A_95 = arith.constant 0 : index
    %get3A_96 = arith.constant 0 : index
    %get3A_97 = vector.load %arg11[%get3A_95, %get3A_96] : memref<1x1xf32, #tpu.memory_space<vmem>>, vector<1x1xf32>
    %add3A_98 = vector.broadcast %reduce_sum3A_94 : f32 to vector<1x1xf32>
    %add3A_99 = arith.addf %get3A_97, %add3A_98 : vector<1x1xf32>
    %exp3A_100 = math.exp %add3A_99 : vector<1x1xf32>
    %swap3A = arith.constant 0 : index
    %swap3A_101 = arith.constant 0 : index
    %swap3A_102 = vector.load %arg13[%swap3A, %swap3A_101] : memref<1x1xf32, #tpu.memory_space<vmem>>, vector<1x1xf32>
    tpu.vector_store %arg13[%swap3A, %swap3A_101], %exp3A_100 {strides = array<i32>} : memref<1x1xf32, #tpu.memory_space<vmem>>, vector<1x1xf32>,
    return
  }
}

module attributes {stable_mosaic.version = 14 : i64} {
  func.func @_tcmid_body(%arg0: memref<2x10112x128xf32, #tpu.memory_space<vmem>>, %arg1: memref<10000x128xf32, #tpu.memory_space<vmem>>, %arg2: memref<2x10112x128xf32, #tpu.memory_space<vmem>>, %arg3: memref<1x128xf32, #tpu.memory_space<vmem>>, %arg4: memref<128x128xf32, #tpu.memory_space<vmem>>, %arg5: memref<1x128xf32, #tpu.memory_space<vmem>>, %arg6: memref<1x1xf32, #tpu.memory_space<vmem>>, %arg7: memref<128x64xf32, #tpu.memory_space<vmem>>, %arg8: memref<1x64xf32, #tpu.memory_space<vmem>>, %arg9: memref<10000x128xf32, #tpu.memory_space<vmem>>, %arg10: memref<1x64xf32, #tpu.memory_space<vmem>>) attributes {dimension_semantics = [], scalar_prefetch = 0 : i64, scratch_operands = 0 : i64, tpu.core_type = #tpu.core_type<tc>} {
    %get3A = arith.constant 0 : index
    %get3A_0 = arith.constant 0 : index
    %get3A_1 = arith.constant 0 : index
    %get3A_2 = vector.load %arg2[%get3A, %get3A_0, %get3A_1] : memref<2x10112x128xf32, #tpu.memory_space<vmem>>, vector<1x10112x128xf32>
    %get3A_3 = vector.shape_cast %get3A_2 : vector<1x10112x128xf32> to vector<10112x128xf32>
    %slice3A = vector.extract_strided_slice %get3A_3 {offsets = [0, 0], sizes = [10000, 1], strides = [1, 1]} : vector<10112x128xf32> to vector<10000x1xf32>
    %get3A_4 = arith.constant 1 : index
    %get3A_5 = arith.constant 0 : index
    %get3A_6 = arith.constant 0 : index
    %get3A_7 = vector.load %arg2[%get3A_4, %get3A_5, %get3A_6] : memref<2x10112x128xf32, #tpu.memory_space<vmem>>, vector<1x10112x128xf32>
    %get3A_8 = vector.shape_cast %get3A_7 : vector<1x10112x128xf32> to vector<10112x128xf32>
    %slice3A_9 = vector.extract_strided_slice %get3A_8 {offsets = [0, 0], sizes = [10000, 1], strides = [1, 1]} : vector<10112x128xf32> to vector<10000x1xf32>
    %add3A = arith.addf %slice3A, %slice3A_9 : vector<10000x1xf32>
    %add3A_10 = arith.constant 1.000000e+00 : f32
    %add3A_11 = vector.broadcast %add3A_10 : f32 to vector<10000x1xf32>
    %add3A_12 = arith.addf %add3A, %add3A_11 : vector<10000x1xf32>
    %rsqrt3A = math.rsqrt %add3A_12 : vector<10000x1xf32>
    %get3A_13 = arith.constant 0 : index
    %get3A_14 = arith.constant 0 : index
    %get3A_15 = arith.constant 0 : index
    %get3A_16 = vector.load %arg0[%get3A_13, %get3A_14, %get3A_15] : memref<2x10112x128xf32, #tpu.memory_space<vmem>>, vector<1x10112x128xf32>
    %get3A_17 = vector.shape_cast %get3A_16 : vector<1x10112x128xf32> to vector<10112x128xf32>
    %slice3A_18 = vector.extract_strided_slice %get3A_17 {offsets = [0, 0], sizes = [10000, 128], strides = [1, 1]} : vector<10112x128xf32> to vector<10000x128xf32>
    %get3A_19 = arith.constant 1 : index
    %get3A_20 = arith.constant 0 : index
    %get3A_21 = arith.constant 0 : index
    %get3A_22 = vector.load %arg0[%get3A_19, %get3A_20, %get3A_21] : memref<2x10112x128xf32, #tpu.memory_space<vmem>>, vector<1x10112x128xf32>
    %get3A_23 = vector.shape_cast %get3A_22 : vector<1x10112x128xf32> to vector<10112x128xf32>
    %slice3A_24 = vector.extract_strided_slice %get3A_23 {offsets = [0, 0], sizes = [10000, 128], strides = [1, 1]} : vector<10112x128xf32> to vector<10000x128xf32>
    %add3A_25 = arith.addf %slice3A_18, %slice3A_24 : vector<10000x128xf32>
    %get3A_26 = arith.constant 0 : index
    %get3A_27 = arith.constant 0 : index
    %get3A_28 = vector.load %arg1[%get3A_26, %get3A_27] : memref<10000x128xf32, #tpu.memory_space<vmem>>, vector<10000x128xf32>
    %add3A_29 = arith.addf %add3A_25, %get3A_28 : vector<10000x128xf32>
    %mul3A = vector.broadcast %rsqrt3A : vector<10000x1xf32> to vector<10000x128xf32>
    %mul3A_30 = arith.mulf %add3A_29, %mul3A : vector<10000x128xf32>
    %get3A_31 = arith.constant 0 : index
    %get3A_32 = arith.constant 0 : index
    %get3A_33 = vector.load %arg3[%get3A_31, %get3A_32] : memref<1x128xf32, #tpu.memory_space<vmem>>, vector<1x128xf32>
    %add3A_34 = vector.broadcast %get3A_33 : vector<1x128xf32> to vector<10000x128xf32>
    %add3A_35 = arith.addf %mul3A_30, %add3A_34 : vector<10000x128xf32>
    %get3A_36 = arith.constant 0 : index
    %get3A_37 = arith.constant 0 : index
    %get3A_38 = vector.load %arg5[%get3A_36, %get3A_37] : memref<1x128xf32, #tpu.memory_space<vmem>>, vector<1x128xf32>
    %get3A_39 = arith.constant 0 : index
    %get3A_40 = arith.constant 0 : index
    %get3A_41 = vector.load %arg6[%get3A_39, %get3A_40] : memref<1x1xf32, #tpu.memory_space<vmem>>, vector<1x1xf32>
    %get3A_42 = arith.constant 0 : index
    %get3A_43 = arith.constant 0 : index
    %get3A_44 = vector.load %arg7[%get3A_42, %get3A_43] : memref<128x64xf32, #tpu.memory_space<vmem>>, vector<128x64xf32>
    %get3A_45 = arith.constant 0 : index
    %get3A_46 = arith.constant 0 : index
    %get3A_47 = vector.load %arg8[%get3A_45, %get3A_46] : memref<1x64xf32, #tpu.memory_space<vmem>>, vector<1x64xf32>
    %mul3A_48 = vector.broadcast %get3A_38 : vector<1x128xf32> to vector<10000x128xf32>
    %mul3A_49 = arith.mulf %add3A_35, %mul3A_48 : vector<10000x128xf32>
    %reduce_sum3A = arith.constant dense<0.000000e+00> : vector<10000xf32>
    %reduce_sum3A_50 = vector.multi_reduction <add>, %mul3A_49, %reduce_sum3A [1] : vector<10000x128xf32> to vector<10000xf32>
    %broadcast_in_dim3A = vector.shape_cast %reduce_sum3A_50 : vector<10000xf32> to vector<10000x1xf32>
    %add3A_51 = vector.broadcast %get3A_41 : vector<1x1xf32> to vector<10000x1xf32>
    %add3A_52 = arith.addf %broadcast_in_dim3A, %add3A_51 : vector<10000x1xf32>
    %reduce_max3A = vector.shape_cast %add3A_52 : vector<10000x1xf32> to vector<1x10000x1xf32>
    %reduce_max3A_53 = arith.constant dense<0xFF800000> : vector<1xf32>
    %reduce_max3A_54 = vector.multi_reduction <maximumf>, %reduce_max3A, %reduce_max3A_53 [1, 2] : vector<1x10000x1xf32> to vector<1xf32>
    %reduce_max3A_55 = vector.shape_cast %reduce_max3A_54 : vector<1xf32> to vector<1x1x1xf32>
    %reduce_max3A_56 = vector.extract %reduce_max3A_55[0, 0, 0] : f32 from vector<1x1x1xf32>
    %sub3A = vector.broadcast %reduce_max3A_56 : f32 to vector<10000x1xf32>
    %sub3A_57 = arith.subf %add3A_52, %sub3A : vector<10000x1xf32>
    %exp3A = math.exp %sub3A_57 : vector<10000x1xf32>
    %mul3A_58 = vector.broadcast %exp3A : vector<10000x1xf32> to vector<10000x128xf32>
    %mul3A_59 = arith.mulf %add3A_35, %mul3A_58 : vector<10000x128xf32>
    %reduce_sum3A_60 = arith.constant dense<0.000000e+00> : vector<128xf32>
    %reduce_sum3A_61 = vector.multi_reduction <add>, %mul3A_59, %reduce_sum3A_60 [0] : vector<10000x128xf32> to vector<128xf32>
    %broadcast_in_dim3A_62 = vector.shape_cast %reduce_sum3A_61 : vector<128xf32> to vector<1x128xf32>
    %reduce_sum3A_63 = vector.shape_cast %exp3A : vector<10000x1xf32> to vector<1x10000x1xf32>
    %reduce_sum3A_64 = arith.constant dense<0.000000e+00> : vector<1xf32>
    %reduce_sum3A_65 = vector.multi_reduction <add>, %reduce_sum3A_63, %reduce_sum3A_64 [1, 2] : vector<1x10000x1xf32> to vector<1xf32>
    %reduce_sum3A_66 = vector.shape_cast %reduce_sum3A_65 : vector<1xf32> to vector<1x1x1xf32>
    %reduce_sum3A_67 = vector.extract %reduce_sum3A_66[0, 0, 0] : f32 from vector<1x1x1xf32>
    %div3A = vector.broadcast %reduce_sum3A_67 : f32 to vector<1x128xf32>
    %div3A_68 = arith.divf %broadcast_in_dim3A_62, %div3A : vector<1x128xf32>
    %dot_general3A = arith.constant dense<0.000000e+00> : vector<1x64xf32>
    %dot_general3A_69 = tpu.matmul %div3A_68, %get3A_44, %dot_general3A {dimension_numbers = #tpu.dot_dimension_numbers<[1], [0], [0], [1], [0, 0, 1, 1], [], []>, transpose_lhs_hint = false} : vector<1x128xf32>, vector<128x64xf32>, vector<1x64xf32> -> vector<1x64xf32>
    %add3A_70 = arith.addf %dot_general3A_69, %get3A_47 : vector<1x64xf32>
    %swap3A = arith.constant 0 : index
    %swap3A_71 = arith.constant 0 : index
    %swap3A_72 = vector.load %arg10[%swap3A, %swap3A_71] : memref<1x64xf32, #tpu.memory_space<vmem>>, vector<1x64xf32>
    tpu.vector_store %arg10[%swap3A, %swap3A_71], %add3A_70 {strides = array<i32>} : memref<1x64xf32, #tpu.memory_space<vmem>>, vector<1x64xf32>,
    %get3A_73 = arith.constant 0 : index
    %get3A_74 = arith.constant 0 : index
    %get3A_75 = vector.load %arg4[%get3A_73, %get3A_74] : memref<128x128xf32, #tpu.memory_space<vmem>>, vector<128x128xf32>
    %dot_general3A_76 = arith.constant dense<0.000000e+00> : vector<10000x128xf32>
    %dot_general3A_77 = tpu.matmul %add3A_35, %get3A_75, %dot_general3A_76 {dimension_numbers = #tpu.dot_dimension_numbers<[1], [0], [0], [1], [0, 0, 1, 1], [], []>, transpose_lhs_hint = false} : vector<10000x128xf32>, vector<128x128xf32>, vector<10000x128xf32> -> vector<10000x128xf32>
    %mul3A_78 = vector.broadcast %rsqrt3A : vector<10000x1xf32> to vector<10000x128xf32>
    %mul3A_79 = arith.mulf %dot_general3A_77, %mul3A_78 : vector<10000x128xf32>
    %swap3A_80 = arith.constant 0 : index
    %swap3A_81 = arith.constant 0 : index
    %swap3A_82 = vector.load %arg9[%swap3A_80, %swap3A_81] : memref<10000x128xf32, #tpu.memory_space<vmem>>, vector<10000x128xf32>
    tpu.vector_store %arg9[%swap3A_80, %swap3A_81], %mul3A_79 {strides = array<i32>} : memref<10000x128xf32, #tpu.memory_space<vmem>>, vector<10000x128xf32>,
    return
  }
}

</mosaic_0001>

<sc_bundles>
// kernel: kernel.10.cloned.1.call-start
scs
__scs_entry_jumppad:
0x0: {  	(pc) =	sbr.rel $0x88, $3  }
0x1: {  	(tag) =	ssettag $0x0;
	lr =	simm.s32 $0x1  }
0x2: {  	[smem:$0x3F87] =	sst lr;
	_ =	strace $0xD0000000  }
0x3: {  	_ = 	snop  }
0x4: {  	_ = 	snop  }
0x5: {  	_ = 	snop  }
0x6: {  	_ = 	snop  }
0x7: {  	_ = 	snop  }
__scs_overlays_trampoline_lowered:
0x8: {  	[smem:$0x3F96] =	sst s0  }
0x9: {  	[smem:$0x3F97] =	sst s1  }
0xa: {  	[smem:$0x3F98] =	sst s2  }
0xb: {  	[smem:$0x3F99] =	sst s3  }
0xc: {  	[smem:$0x3F9A] =	sst s4  }
0xd: {  	[smem:$0x3F9B] =	sst s5  }
0xe: {  	[smem:$0x3F9C] =	sst s6  }
0xf: {  	[smem:$0x3F9D] =	sst s7  }
0x10: {  	[smem:$0x3F9E] =	sst s8  }
0x11: {  	[smem:$0x3F9F] =	sst s9;
	s0 =	simm.s32 @!p0 $0x0  }
0x12: {  	s1 =	sld [smem:$0x3F85];
	s0 =	simm.s32 @p0 $0x1  }
0x13: {  	[smem:$0x3FA0] =	sst s0;
	s0 =	simm.s32 @!p1 $0x0  }
0x14: {  	s2 =	sld [smem:$0x3F84];
	s0 =	simm.s32 @p1 $0x1  }
0x15: {  	[smem:$0x3FA1] =	sst s0;
	s0 =	simm.s32 @!p2 $0x0  }
0x16: {  	s3 =	sld [smem:$0x3FDB];
	s0 =	simm.s32 @p2 $0x1  }
0x17: {  	s4 =	simm.s32 $0x1BF5;
	[smem:$0x3FA3] =	sst s0  }
0x18: {  	s0 =	sld [smem:$0x3F86];
	_ =	swait.ge [sflag:s4], $0x0  }
0x19: {  	s7 =	sld [smem:$0x3F87]  }
0x1a: {  	s8 =	sadd.s32 $0xFFFFE003, lr  }
0x1b: {  	s9 =	sadd.s32 $0xFFFFFEF7, lr;
	s5 =	simm.s32 $0xFFFFFFFF;
	p2 =	slt.u32 s8, $0xFFFFF086  }
0x1c: {  	p1 =	slt.u32 s9, $0xF7A;
	s5 =	simm.s32 @!p2 $0x0  }
0x1d: {  	s5 =	simm.s32 @p1 $0x1;
	p0 =	seq.s32 s7, s2  }
0x1e: {  	s7 =	smul.u32 @!p0 $0xF7A, s2;
	p2 =	seq.s32 @!p0 s5, $0x0  }
0x1f: {  	s9 =	smul.u32 $0xF7A, s1;
	s8 =	simm.s32 @!p0 $0x1BF5;
	p2 =	por !p2, p0  }
0x20: {  	[sflag:s8] =	ssyncset.s32 @!p0 $0xFFFFF086;
	s6 =	sadd.s32 @!p0 s3, s7;
	s7 =	simm.s32 @!p0 $0x108  }
0x21: {  	s3 =	sadd.s32 s3, s9;
	s6 =	sadd.s32 @!p0 $0x88, s6;
	s7 =	simm.s32 @p2 $0x1082  }
0x22: {  	[simem:s7], [sflag:s8] =	dma.local @!p0 [hbm:s6], $0xF7A  }
0x23: {  	s9 =	sor.u32 $0xD0000000, s2;
	s6 =	simm.s32 $0x108;
	_ =	swait.ge @!p0 [sflag:s8], $0x0  }
0x24: {  	s3 =	sadd.s32 $0x88, s3;
	s6 =	simm.s32 @!p1 $0x1082;
	[sflag:s4] =	ssyncset.s32 $0xFFFFF086  }
0x25: {  	[simem:s6], [sflag:s4] =	dma.local [hbm:s3], $0xF7A  }
0x26: {  	[smem:$0x3F87] =	sst s1;
	(tag) =	ssettag s2;
	_ =	strace s9  }
0x27: {  	s1 =	sld [smem:$0x3F97]  }
0x28: {  	s2 =	sld [smem:$0x3F98]  }
0x29: {  	s4 =	sld [smem:$0x3F9A]  }
0x2a: {  	p0 =	seq.s32 s5, $0x0;
	s5 =	sld [smem:$0x3F9B]  }
0x2b: {  	s6 =	sld [smem:$0x3F9C]  }
0x2c: {  	s7 =	sld [smem:$0x3F9D]  }
0x2d: {  	s3 =	simm.s32 $0x108;
	s8 =	sld [smem:$0x3F9E]  }
0x2e: {  	s3 =	simm.s32 @!p0 $0x1082;
	s9 =	sld [smem:$0x3F9F]  }
0x2f: {  	lr =	sadd.s32 s0, s3;
	s0 =	sld [smem:$0x3F96]  }
0x30: {  	s3 =	sld [smem:$0x3F99]  }
0x31: {  	[smem:$0x3FA2] =	sst s10  }
0x32: {  	s10 =	sld [smem:$0x3FA0];
	_ =	sdelay $0x3  }
0x33: {  	p0 =	seq.s32 s10, $0x1;
	s10 =	sld [smem:$0x3FA2];
	_ =	sdelay $0x3  }
0x34: {  	[smem:$0x3FA2] =	sst s10  }
0x35: {  	s10 =	sld [smem:$0x3FA1];
	_ =	sdelay $0x3  }
0x36: {  	p1 =	seq.s32 s10, $0x1;
	s10 =	sld [smem:$0x3FA2];
	_ =	sdelay $0x3  }
0x37: {  	[smem:$0x3FA2] =	sst s10  }
0x38: {  	s10 =	sld [smem:$0x3FA3]  }
0x39: {  	_ = 	snop;
	(pc) =	sbr.ind lr, $3  }
0x3a: {  	_ = 	snop  }
0x3b: {  	_ = 	snop  }
0x3c: {  	p2 =	seq.s32 s10, $0x1;
	s10 =	sld [smem:$0x3FA2]  }
0x3d: {  	_ =	shalt  }
0x3e: {  	_ =	shalt  }
0x3f: {  	_ =	shalt  }
0x40: {  	_ =	shalt  }
0x41: {  	_ =	shalt  }
0x42: {  	_ =	shalt  }
0x43: {  	_ =	shalt  }
0x44: {  	_ =	shalt  }
0x45: {  	_ =	shalt  }
0x46: {  	_ =	shalt  }
0x47: {  	_ =	shalt  }
0x48: {  	_ =	shalt  }
0x49: {  	_ =	shalt  }
0x4a: {  	_ =	shalt  }
0x4b: {  	_ =	shalt  }
0x4c: {  	_ =	shalt  }
0x4d: {  	_ =	shalt  }
0x4e: {  	_ =	shalt  }
0x4f: {  	_ =	shalt  }
0x50: {  	_ =	shalt  }
0x51: {  	_ =	shalt  }
0x52: {  	_ =	shalt  }
0x53: {  	_ =	shalt  }
0x54: {  	_ =	shalt  }
0x55: {  	_ =	shalt  }
0x56: {  	_ =	shalt  }
0x57: {  	_ =	shalt  }
0x58: {  	_ =	shalt  }
0x59: {  	_ =	shalt  }
0x5a: {  	_ =	shalt  }
0x5b: {  	_ =	shalt  }
0x5c: {  	_ =	shalt  }
0x5d: {  	_ =	shalt  }
0x5e: {  	_ =	shalt  }
0x5f: {  	_ =	shalt  }
0x60: {  	_ =	shalt  }
0x61: {  	_ =	shalt  }
0x62: {  	_ =	shalt  }
0x63: {  	_ =	shalt  }
0x64: {  	_ =	shalt  }
0x65: {  	_ =	shalt  }
0x66: {  	_ =	shalt  }
0x67: {  	_ =	shalt  }
0x68: {  	_ =	shalt  }
0x69: {  	_ =	shalt  }
0x6a: {  	_ =	shalt  }
0x6b: {  	_ =	shalt  }
0x6c: {  	_ =	shalt  }
0x6d: {  	_ =	shalt  }
0x6e: {  	_ =	shalt  }
0x6f: {  	_ =	shalt  }
0x70: {  	_ =	shalt  }
0x71: {  	_ =	shalt  }
0x72: {  	_ =	shalt  }
0x73: {  	_ =	shalt  }
0x74: {  	_ =	shalt  }
0x75: {  	_ =	shalt  }
0x76: {  	_ =	shalt  }
0x77: {  	_ =	shalt  }
0x78: {  	_ =	shalt  }
0x79: {  	_ =	shalt  }
0x7a: {  	_ =	shalt  }
0x7b: {  	_ =	shalt  }
0x7c: {  	_ =	shalt  }
0x7d: {  	_ =	shalt  }
0x7e: {  	_ =	shalt  }
0x7f: {  	_ =	shalt  }
0x80: {  	_ =	shalt  }
0x81: {  	_ =	shalt  }
0x82: {  	_ =	shalt  }
0x83: {  	_ =	shalt  }
0x84: {  	_ =	shalt  }
0x85: {  	_ =	shalt  }
0x86: {  	_ =	shalt  }
0x87: {  	_ =	shalt  }
.Lfunc_end0:
.L_simem_size_0:
called_computation_lowered:
.L_overlay_start_0:
0x88: {  	s2 =	sld [smem:$0x3FD9]  }
0x89: {  	s3 =	sld [smem:$0x3FFE];
	_ =	sdelay $0x1  }
0x8a: {  	s1 =	srdreg.scid  }
0x8b: {  	s0 =	sand.u32 $0x1, s1  }
0x8c: {  	s16 =	sshll.u32 s0, $0xA;
	s2 =	sadd.s32 s3, s2  }
0x8d: {  	s2 =	sadd.s32 s2, s16  }
0x8e: {  	[smem:$0x3FAE] =	sst s2  }
0x8f: {  	_ = 	snop  }
0x90: {  	(tm) =	ssettm $0x1  }
0x91: {  	s17 =	sld [smem:$0x3FFB];
	_ =	sdelay $0x3  }
0x92: {  	_ =	strace s17  }
0x93: {  	s2 =	sld [smem:$0x3FFC];
	_ =	sdelay $0x3  }
0x94: {  	_ =	strace s2  }
0x95: {  	s2 =	sld [smem:$0x3FFD];
	_ =	sdelay $0x3  }
0x96: {  	_ =	strace s2  }
0x97: {  	_ =	strace $0x8FFFFFFF  }
0x98: {  	s18 =	sld [smem:$0x3FDB];
	_ =	sdelay $0x1  }
0x99: {  	s19 =	simm.s32 $_scs_section_size  }
0x9a: {  	s4 =	simm.s32 $_size__tile_overlayer_lowered;
	s5 =	simm.s32 $_tile_overlayer_lowered  }
0x9b: {  	s22 =	simm.s32 $0x1BFF;
	s21 =	sshll.u32 s5, $0x1;
	s2 =	sadd.s32 s19, s18  }
0x9c: {  	s6 =	simm.s32 $0x0;
	s20 =	sshll.u32 s4, $0x1;
	s4 =	sadd.s32 s21, s2  }
0x9d: {  	[timem:s6], [sflag:s22] =	dma.local [hbm:s4], s20  }
0x9e: {  	_ =	swait.ge [sflag:s22], s20  }
0x9f: {  	s3 =	ssub.s32 $0x0, s20;
	[sflag:s22] =	ssyncset.done $0x0  }
0xa0: {  	[sflag:s22] =	ssyncadd.s32 s3;
	_ =	sdelay $0x1  }
0xa1: {  	s23 =	simm.s32 $0x1B8B  }
0xa2: {  	_ =	swait.ge [sflag:s23], $0x1  }
0xa3: {  	[sflag:s23] =	ssyncset.done $0x0  }
0xa4: {  	s25 =	simm.s32 $0x1B8E;
	s24 =	sld [smem:$0x3FFE];
	[sflag:s23] =	ssyncadd.s32 $0xFFFFFFFF  }
0xa5: {  	s26 =	simm.s32 $execute0_lowered;
	[smem:$0x3FD2] =	sst s25  }
0xa6: {  	s4 =	sshll.u32 s26, $0x1;
	_ =	strace $0x80000046;
	[dreg:$0x1] =	wrdreg $0xFFFFFFFF  }
0xa7: {  	s28 =	simm.s32 $_size_execute0_lowered;
	s2 =	sadd.s32 s2, s4;
	[dreg:$0x0] =	wrdreg $0x0  }
0xa8: {  	s4 =	sshll.u32 s28, $0x1;
	[dreg:$0x2] =	wrdreg s2  }
0xa9: {  	[dreg:$0x3] =	wrdreg s4  }
0xaa: {  	[dreg:$0x4] =	wrdreg $0xC0  }
0xab: {  	_ =	task [dreg:s6], $0x5FFFF  }
0xac: {  	[dreg:$0x1] =	wrdreg $0xFFFFFFFF  }
0xad: {  	[dreg:$0x0] =	wrdreg $0x60  }
0xae: {  	[dreg:$0x2] =	wrdreg s24  }
0xaf: {  	[dreg:$0x3] =	wrdreg $0x68000  }
0xb0: {  	[dreg:$0x4] =	wrdreg $0x9  }
0xb1: {  	_ =	task.clear_ibuf [dreg:s6], $0x5FFFF;
	_ =	strace $0x90000046  }
0xb2: {  	s29 =	simm.s32 $0x9;
	_ =	strace $0x80000048  }
0xb3: {  	_ =	swait.ge [sflag:s29], $0x1  }
0xb4: {  	[sflag:s29] =	ssyncadd.s32 $0xFFFFFFFF  }
0xb5: {  	_ =	strace $0x90000048  }
0xb6: {  	_ =	sfence  }
0xb7: {  	s30 =	sld [smem:$0x0];
	_ =	sdelay $0x2  }
0xb8: {  	s31 =	sshll.u32 s1, $0xD;
	s1 =	sshrl.u32 s1, $0x2  }
0xb9: {  	s3 =	sand.u32 $0x4000, s31;
	s1 =	sadd.s32 s1, s30  }
0xba: {  	s0 =	sor.u32 s3, s0;
	s1 =	sshll.u32 s1, $0x11  }
0xbb: {  	s0 =	sor.u32 s1, s0  }
0xbc: {  	s0 =	sadd.s32 $0x8F2B, s0  }
0xbd: {  	[sflag:s0] =	ssyncadd.remote.s32 $0x1  }
0xbe: {  	_ =	sfence.sel $0xFFFF  }
0xbf: {  	[dreg:$0x0] =	wrdreg $0xFFFFFFFF;
	(pc) =	sbr.abs _section_cstart, $3  }
0xc0: {  	[dreg:$0x1] =	wrdreg $0xFFFFFFFF  }
0xc1: {  	_ =	task.clear_ibuf [dreg:s6], $0x2FFFF;
	_ =	strace $0x9FFFFFFF  }
0xc2: {  	(tm) =	ssettm $0x7FFFFFFF  }
0xc3: {  	_ =	shalt  }
tec
execute0_lowered:
.L_overlay_start_1:
0x0: {  	(tag) =	ssettag $0x1  }
0x1: {  	s0 =	srdreg.scid;
	s5 =	rddreg [dreg:$0x0]  }
0x2: {  	s2 =	rddreg [dreg:$0x1];
	s4 =	sand.u32 $0x1, s0;
	s0 =	stileid.u32  }
0x3: {  	s3 =	simm.s32 $0x0;
	s13 =	simm.s32 $0x80;
	s7 =	smul.u32 $0x13C00, s0  }
0x4: {  	s14 =	simm.s32 $0x0;
	[smem:$0x7FF] =	sst s3;
	s9 =	smul.u32 $0x13C000, s4  }
0x5: {  	s1 =	sshll.u32 s4, $0x4;
	s30 =	ssub.s32 $0x2, s4;
	s10 =	smul.u32 $0x4F000, s0  }
0x6: {  	s4 =	sadd.s32 $0x37A00, s5;
	s31 =	sshll.u32 s0, $0x6;
	s6 =	sor.u32 s0, s1  }
0x7: {  	s1 =	rddreg [dreg:$0x2];
	_ =	strace $0x80000047;
	s11 =	sshrl.u32 s30, $0x1  }
0x8: {  	s6 =	smul.u32 $0x500, s6;
	s8 =	sshrl.u32 s7, $0x3;
	s7 =	sadd.s32 s7, s9  }
0x9: {  	s9 =	ssub.s32 s30, s11;
	s10 =	sshrl.u32 s10, $0x2;
	s11 =	sor.u32 $0x1C01, s31  }
0xa: {  	s8 =	sadd.s32 s8, s5;
	s7 =	sshrl.u32 s7, $0x3;
	s12 =	sadd.s32 s10, s2  }
0xb: {  	s10 =	simm.s32 $0x1;
	s6 =	sadd.s32 s6, s5;
	s7 =	sadd.s32 s7, s5  }
0xc: {  	s12 =	sshrl.u32 s12, $0x3;
	s5 =	sadd.s32 $0x6200, s6;
	s6 =	sadd.s32 $0x10200, s8  }
0xd: {  	s7 =	sadd.s32 $0x38200, s7;
	s8 =	smax.u32 s9, $0x1;
	s9 =	simm.s32 $0x2800  }
.LBB2_1:
0xe: {  	[tilespmem:s9], [sflag:$0x1] =	stream.linear.gather [hbm4b:s4+s3], $0x4000, $0x38;
	[tilespmem:$0x1A400] =	vst v63  }
0xf: {  	_ =	swait.ge [sflag:s10], $0x4000  }
0x10: {  	[sflag:s10] =	ssyncset.done $0x0  }
0x11: {  	[sflag:s10] =	ssyncadd.s32 $0xFFFFC000  }
0x12: {  	[tilespmem:s3], [sflag:$0x1] =	stream.linear.gather [hbm4b:s5+s3], $0x2800, $0x38;
	[tilespmem:$0x1A400] =	vst v63  }
0x13: {  	_ =	swait.ge [sflag:s10], $0x2800  }
0x14: {  	[sflag:s10] =	ssyncset.done $0x0  }
0x15: {  	[sflag:s10] =	ssyncadd.s32 $0xFFFFD800  }
0x16: {  	[spmem:s12], [sflag:s11] =	dma.local [hbm:s6], $0x2780  }
0x17: {  	_ =	swait.ge [sflag:s10], $0x2780  }
0x18: {  	[sflag:s10] =	ssyncset.done $0x0  }
0x19: {  	[sflag:s10] =	ssyncadd.s32 $0xFFFFD880  }
0x1a: {  	s15 =	simm.s32 $0x0;
	[bflag:$0x0] =	sbarrier.arrive $0xFFFF  }
0x1b: {  	[spmem:s2] =	stream.indirect.scatter.add.f32 [tilespmem:s9], [sflag:$0x1], $0x80, s15, s13, $0xb8;
	[tilespmem:$0x1A400] =	vst v63  }
0x1c: {  	_ =	swait.ge [sflag:s10], $0x4000  }
0x1d: {  	s15 =	simm.s32 $0x200;
	[sflag:s10] =	ssyncset.done $0x0  }
.LBB2_2:
0x1e: {  	s16 =	sshra.s32 s15, $0x2;
	[sflag:s10] =	ssyncadd.s32 $0xFFFFC000;
	p0 =	sne.s32 s15, $0x9E00  }
0x1f: {  	[spmem:s2] =	stream.indirect.scatter.add.f32 [tilespmem:s9], [sflag:$0x1], $0x80, s16, s13, $0xb8;
	[tilespmem:$0x1A400] =	vst v63  }
.Ltmp0:
0x20: {  	_ = 	snop;
	(pc) =	sbr.rel @p0 .LBB2_2-.Ltmp0, $4  }
0x21: {  	_ = 	snop  }
0x22: {  	s15 =	sadd.s32 $0x200, s15  }
0x23: {  	_ =	swait.ge [sflag:s10], $0x4000  }
0x24: {  	[sflag:s10] =	ssyncset.done $0x0  }
0x25: {  	s14 =	sadd.s32 $0x1, s14  }
0x26: {  	[sflag:s10] =	ssyncadd.s32 $0xFFFFC000;
	p0 =	sne.s32 s14, s8  }
.Ltmp1:
0x27: {  	[bflag:$0x0] =	sbarrier.arrive $0xFFFF;
	(pc) =	sbr.rel @p0 .LBB2_1-.Ltmp1, $4  }
0x28: {  	[hbm:s7], [sflag:s11] =	dma.local [spmem:s12], $0x2780  }
0x29: {  	_ =	swait.ge [sflag:s10], $0x2780  }
0x2a: {  	[sflag:s10] =	ssyncset.done $0x0  }
0x2b: {  	[sflag:s10] =	ssyncadd.s32 $0xFFFFD880  }
0x2c: {  	_ =	sfence.sel $0x180000  }
0x2d: {  	[bflag:$0x0] =	sbarrier.arrive $0xFFFF  }
0x2e: {  	p0 =	sne.s32 s0, $0x0;
	_ =	strace $0x90000047  }
0x2f: {  	s0 =	sadd.s32 @!p0 $0x100000, s1;
	[bflag:$0x2] =	sbarrier.arrive $0xFFFF  }
0x30: {  	[sflag:s0] =	ssyncadd.tile.s32 @!p0 $0x1;
	_ =	shalt  }
.Lfunc_end2:
_tile_overlayer_lowered:
.L_overlay_start_2:
0x31: {  	(tag) =	ssettag $0x2  }
0x32: {  	s0 =	rddreg [dreg:$0x0];
	s2 =	stileid.u32  }
0x33: {  	s1 =	rddreg [dreg:$0x1];
	p0 =	sne.s32 s2, $0x0  }
0x34: {  	s3 =	rddreg [dreg:$0x2];
	[bflag:$0x3] =	sbarrier.arrive $0xFFFF;
	s2 =	simm.s32 @!p0 $0x1C01  }
0x35: {  	[timem:s3], [sflag:s2] =	dma.local @!p0 [hbm:s0], s1  }
0x36: {  	s0 =	simm.s32 @!p0 $0x1  }
0x37: {  	_ =	swait.ge @!p0 [sflag:s0], s1  }
0x38: {  	s1 =	ssub.s32 @!p0 $0x0, s1;
	[sflag:s0] =	ssyncset.done @!p0 $0x0  }
0x39: {  	[sflag:s0] =	ssyncadd.s32 @!p0 s1  }
0x3a: {  	[bflag:$0x3] =	sbarrier.arrive $0xFFFF  }
0x3b: {  	_ =	shalt  }

// kernel: kernel.13.cloned.1.call-start
scs
__scs_entry_jumppad:
0x0: {  	(pc) =	sbr.rel $0x88, $3  }
0x1: {  	(tag) =	ssettag $0x0;
	lr =	simm.s32 $0x1  }
0x2: {  	[smem:$0x3F87] =	sst lr;
	_ =	strace $0xD0000000  }
0x3: {  	_ = 	snop  }
0x4: {  	_ = 	snop  }
0x5: {  	_ = 	snop  }
0x6: {  	_ = 	snop  }
0x7: {  	_ = 	snop  }
__scs_overlays_trampoline_lowered:
0x8: {  	[smem:$0x3F96] =	sst s0  }
0x9: {  	[smem:$0x3F97] =	sst s1  }
0xa: {  	[smem:$0x3F98] =	sst s2  }
0xb: {  	[smem:$0x3F99] =	sst s3  }
0xc: {  	[smem:$0x3F9A] =	sst s4  }
0xd: {  	[smem:$0x3F9B] =	sst s5  }
0xe: {  	[smem:$0x3F9C] =	sst s6  }
0xf: {  	[smem:$0x3F9D] =	sst s7  }
0x10: {  	[smem:$0x3F9E] =	sst s8  }
0x11: {  	[smem:$0x3F9F] =	sst s9;
	s0 =	simm.s32 @!p0 $0x0  }
0x12: {  	s1 =	sld [smem:$0x3F85];
	s0 =	simm.s32 @p0 $0x1  }
0x13: {  	[smem:$0x3FA0] =	sst s0;
	s0 =	simm.s32 @!p1 $0x0  }
0x14: {  	s2 =	sld [smem:$0x3F84];
	s0 =	simm.s32 @p1 $0x1  }
0x15: {  	[smem:$0x3FA1] =	sst s0;
	s0 =	simm.s32 @!p2 $0x0  }
0x16: {  	s3 =	sld [smem:$0x3FDB];
	s0 =	simm.s32 @p2 $0x1  }
0x17: {  	s4 =	simm.s32 $0x1BF5;
	[smem:$0x3FA3] =	sst s0  }
0x18: {  	s0 =	sld [smem:$0x3F86];
	_ =	swait.ge [sflag:s4], $0x0  }
0x19: {  	s7 =	sld [smem:$0x3F87]  }
0x1a: {  	s8 =	sadd.s32 $0xFFFFE003, lr  }
0x1b: {  	s9 =	sadd.s32 $0xFFFFFEF7, lr;
	s5 =	simm.s32 $0xFFFFFFFF;
	p2 =	slt.u32 s8, $0xFFFFF086  }
0x1c: {  	p1 =	slt.u32 s9, $0xF7A;
	s5 =	simm.s32 @!p2 $0x0  }
0x1d: {  	s5 =	simm.s32 @p1 $0x1;
	p0 =	seq.s32 s7, s2  }
0x1e: {  	s7 =	smul.u32 @!p0 $0xF7A, s2;
	p2 =	seq.s32 @!p0 s5, $0x0  }
0x1f: {  	s9 =	smul.u32 $0xF7A, s1;
	s8 =	simm.s32 @!p0 $0x1BF5;
	p2 =	por !p2, p0  }
0x20: {  	[sflag:s8] =	ssyncset.s32 @!p0 $0xFFFFF086;
	s6 =	sadd.s32 @!p0 s3, s7;
	s7 =	simm.s32 @!p0 $0x108  }
0x21: {  	s3 =	sadd.s32 s3, s9;
	s6 =	sadd.s32 @!p0 $0x88, s6;
	s7 =	simm.s32 @p2 $0x1082  }
0x22: {  	[simem:s7], [sflag:s8] =	dma.local @!p0 [hbm:s6], $0xF7A  }
0x23: {  	s9 =	sor.u32 $0xD0000000, s2;
	s6 =	simm.s32 $0x108;
	_ =	swait.ge @!p0 [sflag:s8], $0x0  }
0x24: {  	s3 =	sadd.s32 $0x88, s3;
	s6 =	simm.s32 @!p1 $0x1082;
	[sflag:s4] =	ssyncset.s32 $0xFFFFF086  }
0x25: {  	[simem:s6], [sflag:s4] =	dma.local [hbm:s3], $0xF7A  }
0x26: {  	[smem:$0x3F87] =	sst s1;
	(tag) =	ssettag s2;
	_ =	strace s9  }
0x27: {  	s1 =	sld [smem:$0x3F97]  }
0x28: {  	s2 =	sld [smem:$0x3F98]  }
0x29: {  	s4 =	sld [smem:$0x3F9A]  }
0x2a: {  	p0 =	seq.s32 s5, $0x0;
	s5 =	sld [smem:$0x3F9B]  }
0x2b: {  	s6 =	sld [smem:$0x3F9C]  }
0x2c: {  	s7 =	sld [smem:$0x3F9D]  }
0x2d: {  	s3 =	simm.s32 $0x108;
	s8 =	sld [smem:$0x3F9E]  }
0x2e: {  	s3 =	simm.s32 @!p0 $0x1082;
	s9 =	sld [smem:$0x3F9F]  }
0x2f: {  	lr =	sadd.s32 s0, s3;
	s0 =	sld [smem:$0x3F96]  }
0x30: {  	s3 =	sld [smem:$0x3F99]  }
0x31: {  	[smem:$0x3FA2] =	sst s10  }
0x32: {  	s10 =	sld [smem:$0x3FA0];
	_ =	sdelay $0x3  }
0x33: {  	p0 =	seq.s32 s10, $0x1;
	s10 =	sld [smem:$0x3FA2];
	_ =	sdelay $0x3  }
0x34: {  	[smem:$0x3FA2] =	sst s10  }
0x35: {  	s10 =	sld [smem:$0x3FA1];
	_ =	sdelay $0x3  }
0x36: {  	p1 =	seq.s32 s10, $0x1;
	s10 =	sld [smem:$0x3FA2];
	_ =	sdelay $0x3  }
0x37: {  	[smem:$0x3FA2] =	sst s10  }
0x38: {  	s10 =	sld [smem:$0x3FA3]  }
0x39: {  	_ = 	snop;
	(pc) =	sbr.ind lr, $3  }
0x3a: {  	_ = 	snop  }
0x3b: {  	_ = 	snop  }
0x3c: {  	p2 =	seq.s32 s10, $0x1;
	s10 =	sld [smem:$0x3FA2]  }
0x3d: {  	_ =	shalt  }
0x3e: {  	_ =	shalt  }
0x3f: {  	_ =	shalt  }
0x40: {  	_ =	shalt  }
0x41: {  	_ =	shalt  }
0x42: {  	_ =	shalt  }
0x43: {  	_ =	shalt  }
0x44: {  	_ =	shalt  }
0x45: {  	_ =	shalt  }
0x46: {  	_ =	shalt  }
0x47: {  	_ =	shalt  }
0x48: {  	_ =	shalt  }
0x49: {  	_ =	shalt  }
0x4a: {  	_ =	shalt  }
0x4b: {  	_ =	shalt  }
0x4c: {  	_ =	shalt  }
0x4d: {  	_ =	shalt  }
0x4e: {  	_ =	shalt  }
0x4f: {  	_ =	shalt  }
0x50: {  	_ =	shalt  }
0x51: {  	_ =	shalt  }
0x52: {  	_ =	shalt  }
0x53: {  	_ =	shalt  }
0x54: {  	_ =	shalt  }
0x55: {  	_ =	shalt  }
0x56: {  	_ =	shalt  }
0x57: {  	_ =	shalt  }
0x58: {  	_ =	shalt  }
0x59: {  	_ =	shalt  }
0x5a: {  	_ =	shalt  }
0x5b: {  	_ =	shalt  }
0x5c: {  	_ =	shalt  }
0x5d: {  	_ =	shalt  }
0x5e: {  	_ =	shalt  }
0x5f: {  	_ =	shalt  }
0x60: {  	_ =	shalt  }
0x61: {  	_ =	shalt  }
0x62: {  	_ =	shalt  }
0x63: {  	_ =	shalt  }
0x64: {  	_ =	shalt  }
0x65: {  	_ =	shalt  }
0x66: {  	_ =	shalt  }
0x67: {  	_ =	shalt  }
0x68: {  	_ =	shalt  }
0x69: {  	_ =	shalt  }
0x6a: {  	_ =	shalt  }
0x6b: {  	_ =	shalt  }
0x6c: {  	_ =	shalt  }
0x6d: {  	_ =	shalt  }
0x6e: {  	_ =	shalt  }
0x6f: {  	_ =	shalt  }
0x70: {  	_ =	shalt  }
0x71: {  	_ =	shalt  }
0x72: {  	_ =	shalt  }
0x73: {  	_ =	shalt  }
0x74: {  	_ =	shalt  }
0x75: {  	_ =	shalt  }
0x76: {  	_ =	shalt  }
0x77: {  	_ =	shalt  }
0x78: {  	_ =	shalt  }
0x79: {  	_ =	shalt  }
0x7a: {  	_ =	shalt  }
0x7b: {  	_ =	shalt  }
0x7c: {  	_ =	shalt  }
0x7d: {  	_ =	shalt  }
0x7e: {  	_ =	shalt  }
0x7f: {  	_ =	shalt  }
0x80: {  	_ =	shalt  }
0x81: {  	_ =	shalt  }
0x82: {  	_ =	shalt  }
0x83: {  	_ =	shalt  }
0x84: {  	_ =	shalt  }
0x85: {  	_ =	shalt  }
0x86: {  	_ =	shalt  }
0x87: {  	_ =	shalt  }
.Lfunc_end0:
.L_simem_size_0:
called_computation.1_lowered:
.L_overlay_start_0:
0x88: {  	s2 =	sld [smem:$0x3FD9]  }
0x89: {  	s3 =	sld [smem:$0x3FFE];
	_ =	sdelay $0x1  }
0x8a: {  	s1 =	srdreg.scid  }
0x8b: {  	s0 =	sand.u32 $0x1, s1  }
0x8c: {  	s16 =	sshll.u32 s0, $0xA;
	s2 =	sadd.s32 s3, s2  }
0x8d: {  	s2 =	sadd.s32 s2, s16  }
0x8e: {  	[smem:$0x3FAE] =	sst s2  }
0x8f: {  	_ = 	snop  }
0x90: {  	(tm) =	ssettm $0x1  }
0x91: {  	s17 =	sld [smem:$0x3FFB];
	_ =	sdelay $0x3  }
0x92: {  	_ =	strace s17  }
0x93: {  	s2 =	sld [smem:$0x3FFC];
	_ =	sdelay $0x3  }
0x94: {  	_ =	strace s2  }
0x95: {  	s2 =	sld [smem:$0x3FFD];
	_ =	sdelay $0x3  }
0x96: {  	_ =	strace s2  }
0x97: {  	_ =	strace $0x8FFFFFFF  }
0x98: {  	s18 =	sld [smem:$0x3FDB];
	_ =	sdelay $0x1  }
0x99: {  	s19 =	simm.s32 $_scs_section_size  }
0x9a: {  	s4 =	simm.s32 $_size__tile_overlayer_lowered;
	s5 =	simm.s32 $_tile_overlayer_lowered  }
0x9b: {  	s22 =	simm.s32 $0x1BFF;
	s21 =	sshll.u32 s5, $0x1;
	s2 =	sadd.s32 s19, s18  }
0x9c: {  	s6 =	simm.s32 $0x0;
	s20 =	sshll.u32 s4, $0x1;
	s4 =	sadd.s32 s21, s2  }
0x9d: {  	[timem:s6], [sflag:s22] =	dma.local [hbm:s4], s20  }
0x9e: {  	_ =	swait.ge [sflag:s22], s20  }
0x9f: {  	s3 =	ssub.s32 $0x0, s20;
	[sflag:s22] =	ssyncset.done $0x0  }
0xa0: {  	[sflag:s22] =	ssyncadd.s32 s3;
	_ =	sdelay $0x1  }
0xa1: {  	s23 =	simm.s32 $0x1B8B  }
0xa2: {  	_ =	swait.ge [sflag:s23], $0x1  }
0xa3: {  	[sflag:s23] =	ssyncset.done $0x0  }
0xa4: {  	s25 =	simm.s32 $0x1B8E;
	s24 =	sld [smem:$0x3FFE];
	[sflag:s23] =	ssyncadd.s32 $0xFFFFFFFF  }
0xa5: {  	s26 =	simm.s32 $execute0_lowered;
	[smem:$0x3FD2] =	sst s25  }
0xa6: {  	s4 =	sshll.u32 s26, $0x1;
	_ =	strace $0x80000049;
	[dreg:$0x1] =	wrdreg $0xFFFFFFFF  }
0xa7: {  	s28 =	simm.s32 $_size_execute0_lowered;
	s2 =	sadd.s32 s2, s4;
	[dreg:$0x0] =	wrdreg $0x0  }
0xa8: {  	s4 =	sshll.u32 s28, $0x1;
	[dreg:$0x2] =	wrdreg s2  }
0xa9: {  	[dreg:$0x3] =	wrdreg s4  }
0xaa: {  	[dreg:$0x4] =	wrdreg $0xC0  }
0xab: {  	_ =	task [dreg:s6], $0x5FFFF  }
0xac: {  	[dreg:$0x1] =	wrdreg $0xFFFFFFFF  }
0xad: {  	[dreg:$0x0] =	wrdreg $0x60  }
0xae: {  	[dreg:$0x2] =	wrdreg s24  }
0xaf: {  	[dreg:$0x3] =	wrdreg $0x41000  }
0xb0: {  	[dreg:$0x4] =	wrdreg $0x9  }
0xb1: {  	_ =	task.clear_ibuf [dreg:s6], $0x5FFFF;
	_ =	strace $0x90000049  }
0xb2: {  	s29 =	simm.s32 $0x9;
	_ =	strace $0x8000004B  }
0xb3: {  	_ =	swait.ge [sflag:s29], $0x1  }
0xb4: {  	[sflag:s29] =	ssyncadd.s32 $0xFFFFFFFF  }
0xb5: {  	_ =	strace $0x9000004B  }
0xb6: {  	_ =	sfence  }
0xb7: {  	s30 =	sld [smem:$0x0];
	_ =	sdelay $0x2  }
0xb8: {  	s31 =	sshll.u32 s1, $0xD;
	s1 =	sshrl.u32 s1, $0x2  }
0xb9: {  	s3 =	sand.u32 $0x4000, s31;
	s1 =	sadd.s32 s1, s30  }
0xba: {  	s0 =	sor.u32 s3, s0;
	s1 =	sshll.u32 s1, $0x11  }
0xbb: {  	s0 =	sor.u32 s1, s0  }
0xbc: {  	s0 =	sadd.s32 $0x8F2B, s0  }
0xbd: {  	[sflag:s0] =	ssyncadd.remote.s32 $0x1  }
0xbe: {  	_ =	sfence.sel $0xFFFF  }
0xbf: {  	[dreg:$0x0] =	wrdreg $0xFFFFFFFF;
	(pc) =	sbr.abs _section_cstart, $3  }
0xc0: {  	[dreg:$0x1] =	wrdreg $0xFFFFFFFF  }
0xc1: {  	_ =	task.clear_ibuf [dreg:s6], $0x2FFFF;
	_ =	strace $0x9FFFFFFF  }
0xc2: {  	(tm) =	ssettm $0x7FFFFFFF  }
0xc3: {  	_ =	shalt  }
tec
execute0_lowered:
.L_overlay_start_1:
0x0: {  	(tag) =	ssettag $0x1  }
0x1: {  	s5 =	rddreg [dreg:$0x0];
	s0 =	srdreg.scid  }
0x2: {  	s2 =	rddreg [dreg:$0x1];
	s1 =	stileid.u32  }
0x3: {  	s3 =	simm.s32 $0x0;
	s13 =	simm.s32 $0x80;
	s8 =	smul.u32 $0x13C00, s1  }
0x4: {  	s14 =	simm.s32 $0x100;
	s15 =	simm.s32 $0x1;
	s26 =	smul.u32 $0x4F000, s1  }
0x5: {  	s6 =	sand.u32 $0x1, s0;
	s0 =	rddreg [dreg:$0x2];
	s30 =	smul.u32 $0x500, s1  }
0x6: {  	s16 =	simm.s32 $0x0;
	[smem:$0x7FF] =	sst s3;
	s7 =	smul.u32 $0x5000, s6  }
0x7: {  	s4 =	sadd.s32 $0x91200, s5;
	s31 =	sshll.u32 s1, $0x6;
	s9 =	smul.u32 $0x13C000, s6  }
0x8: {  	_ =	strace $0x8000004A;
	s6 =	ssub.s32 $0x2, s6;
	s25 =	sshrl.u32 s8, $0x3  }
0x9: {  	s28 =	sshrl.u32 s6, $0x1;
	s29 =	sshrl.u32 s26, $0x2;
	s10 =	sadd.s32 s7, s5  }
0xa: {  	s8 =	sadd.s32 s8, s9;
	s7 =	sadd.s32 s25, s5;
	s11 =	ssub.s32 s6, s28  }
0xb: {  	s12 =	sadd.s32 s29, s2;
	s6 =	sor.u32 $0x1C02, s31;
	s8 =	sshrl.u32 s8, $0x3  }
0xc: {  	s10 =	sadd.s32 s30, s10;
	s8 =	sadd.s32 s8, s5;
	s5 =	sadd.s32 $0x10200, s7  }
0xd: {  	s9 =	sadd.s32 $0x6200, s10;
	s10 =	sadd.s32 $0x87200, s10;
	s7 =	sadd.s32 $0xB8400, s8  }
0xe: {  	s8 =	smax.u32 s11, $0x1;
	s11 =	sshrl.u32 s12, $0x3;
	s12 =	simm.s32 $0x2  }
.LBB2_1:
0xf: {  	[spmem:s11], [sflag:s6] =	dma.local [hbm:s5], $0x2780  }
0x10: {  	_ =	swait.ge [sflag:s12], $0x2780  }
0x11: {  	[sflag:s12] =	ssyncset.done $0x0  }
0x12: {  	[sflag:s12] =	ssyncadd.s32 $0xFFFFD880  }
0x13: {  	s17 =	sadd.s32 $0x0, s10;
	[bflag:$0x0] =	sbarrier.arrive $0xFFFF  }
0x14: {  	[tilespmem:s3], [sflag:$0x2] =	stream.linear.gather [hbm4b:s17+s3], $0x80, $0x38;
	[tilespmem:$0x17D00] =	vst v63  }
0x15: {  	_ =	swait.ge [sflag:s12], $0x80  }
0x16: {  	[sflag:s12] =	ssyncset.done $0x0  }
0x17: {  	s31 =	sadd.s32 $0x0, s9;
	[sflag:s12] =	ssyncadd.s32 $0xFFFFFF80  }
0x18: {  	[tilespmem:s13], [sflag:$0x2] =	stream.linear.gather [hbm4b:s31+s3], $0x80, $0x38;
	[tilespmem:$0x17D00] =	vst v63  }
0x19: {  	_ =	swait.ge [sflag:s12], $0x80  }
0x1a: {  	[sflag:s12] =	ssyncset.done $0x0  }
0x1b: {  	[sflag:s12] =	ssyncadd.s32 $0xFFFFFF80  }
0x1c: {  	[tilespmem:s14], [sflag:$0x1] =	stream.indirect.gather [hbm4b:s4+s13], $0x80, s3, s13, $0xb8;
	[tilespmem:$0x17D00] =	vst v63  }
0x1d: {  	_ =	swait.ge [sflag:s15], $0x4000  }
0x1e: {  	[sflag:s15] =	ssyncset.done $0x0  }
0x1f: {  	[sflag:s15] =	ssyncadd.s32 $0xFFFFC000  }
0x20: {  	[spmem:s2] =	stream.indirect.scatter.add.f32 [tilespmem:s14], [sflag:$0x2], $0x80, s13, s13, $0xb8;
	[tilespmem:$0x17D00] =	vst v63  }
0x21: {  	_ =	swait.ge [sflag:s12], $0x4000  }
0x22: {  	s18 =	simm.s32 $0x20;
	s17 =	simm.s32 $0x10;
	[sflag:s12] =	ssyncset.done $0x0  }
.LBB2_2:
0x23: {  	s19 =	sadd.s32 s17, s10  }
0x24: {  	[sflag:s12] =	ssyncadd.s32 $0xFFFFC000;
	s20 =	smov.u32 s18;
	s21 =	sadd.s32 $0x10, s18  }
0x25: {  	[tilespmem:s3], [sflag:$0x2] =	stream.linear.gather [hbm4b:s19+s3], $0x80, $0x38;
	[tilespmem:$0x17D00] =	vst v63  }
0x26: {  	p0 =	sne.s32 s18, $0x4F0;
	_ =	swait.ge [sflag:s12], $0x80  }
0x27: {  	[sflag:s12] =	ssyncset.done $0x0  }
0x28: {  	s18 =	sadd.s32 s17, s9;
	s17 =	smov.u32 s20;
	[sflag:s12] =	ssyncadd.s32 $0xFFFFFF80  }
0x29: {  	[tilespmem:s13], [sflag:$0x2] =	stream.linear.gather [hbm4b:s18+s3], $0x80, $0x38;
	[tilespmem:$0x17D00] =	vst v63  }
0x2a: {  	_ =	swait.ge [sflag:s12], $0x80  }
0x2b: {  	[sflag:s12] =	ssyncset.done $0x0  }
0x2c: {  	[sflag:s12] =	ssyncadd.s32 $0xFFFFFF80  }
0x2d: {  	[tilespmem:s14], [sflag:$0x1] =	stream.indirect.gather [hbm4b:s4+s13], $0x80, s3, s13, $0xb8;
	[tilespmem:$0x17D00] =	vst v63  }
0x2e: {  	_ =	swait.ge [sflag:s15], $0x4000  }
.Ltmp0:
0x2f: {  	[sflag:s15] =	ssyncset.done $0x0;
	(pc) =	sbr.rel @p0 .LBB2_2-.Ltmp0, $4  }
0x30: {  	[sflag:s15] =	ssyncadd.s32 $0xFFFFC000  }
0x31: {  	[spmem:s2] =	stream.indirect.scatter.add.f32 [tilespmem:s14], [sflag:$0x2], $0x80, s13, s13, $0xb8;
	[tilespmem:$0x17D00] =	vst v63  }
0x32: {  	_ =	swait.ge [sflag:s12], $0x4000  }
0x33: {  	s18 =	smov.u32 s21;
	[sflag:s12] =	ssyncset.done $0x0  }
0x34: {  	s18 =	sadd.s32 s17, s10;
	[sflag:s12] =	ssyncadd.s32 $0xFFFFC000  }
0x35: {  	[tilespmem:s3], [sflag:$0x2] =	stream.linear.gather [hbm4b:s18+s3], $0x80, $0x38;
	[tilespmem:$0x17D00] =	vst v63  }
0x36: {  	_ =	swait.ge [sflag:s12], $0x80  }
0x37: {  	[sflag:s12] =	ssyncset.done $0x0  }
0x38: {  	s31 =	sadd.s32 s17, s9;
	[sflag:s12] =	ssyncadd.s32 $0xFFFFFF80  }
0x39: {  	[tilespmem:s13], [sflag:$0x2] =	stream.linear.gather [hbm4b:s31+s3], $0x80, $0x38;
	[tilespmem:$0x17D00] =	vst v63  }
0x3a: {  	_ =	swait.ge [sflag:s12], $0x80  }
0x3b: {  	[sflag:s12] =	ssyncset.done $0x0  }
0x3c: {  	[sflag:s12] =	ssyncadd.s32 $0xFFFFFF80  }
0x3d: {  	[tilespmem:s14], [sflag:$0x1] =	stream.indirect.gather [hbm4b:s4+s13], $0x80, s3, s13, $0xb8;
	[tilespmem:$0x17D00] =	vst v63  }
0x3e: {  	_ =	swait.ge [sflag:s15], $0x4000  }
0x3f: {  	[sflag:s15] =	ssyncset.done $0x0  }
0x40: {  	[sflag:s15] =	ssyncadd.s32 $0xFFFFC000  }
0x41: {  	[spmem:s2] =	stream.indirect.scatter.add.f32 [tilespmem:s14], [sflag:$0x2], $0x80, s13, s13, $0xb8;
	[tilespmem:$0x17D00] =	vst v63  }
0x42: {  	_ =	swait.ge [sflag:s12], $0x4000  }
0x43: {  	s16 =	sadd.s32 $0x1, s16;
	[sflag:s12] =	ssyncset.done $0x0  }
0x44: {  	p0 =	sne.s32 s16, s8;
	[sflag:s12] =	ssyncadd.s32 $0xFFFFC000  }
.Ltmp1:
0x45: {  	[bflag:$0x0] =	sbarrier.arrive $0xFFFF;
	(pc) =	sbr.rel @p0 .LBB2_1-.Ltmp1, $4  }
0x46: {  	[hbm:s7], [sflag:s6] =	dma.local [spmem:s11], $0x2780  }
0x47: {  	_ =	swait.ge [sflag:s12], $0x2780  }
0x48: {  	[sflag:s12] =	ssyncset.done $0x0  }
0x49: {  	[sflag:s12] =	ssyncadd.s32 $0xFFFFD880  }
0x4a: {  	_ =	sfence.sel $0x180000  }
0x4b: {  	[bflag:$0x0] =	sbarrier.arrive $0xFFFF  }
0x4c: {  	p0 =	sne.s32 s1, $0x0;
	_ =	strace $0x9000004A  }
0x4d: {  	s0 =	sadd.s32 @!p0 $0x100000, s0;
	[bflag:$0x2] =	sbarrier.arrive $0xFFFF  }
0x4e: {  	[sflag:s0] =	ssyncadd.tile.s32 @!p0 $0x1;
	_ =	shalt  }
.Lfunc_end2:
_tile_overlayer_lowered:
.L_overlay_start_2:
0x4f: {  	(tag) =	ssettag $0x2  }
0x50: {  	s0 =	rddreg [dreg:$0x0];
	s2 =	stileid.u32  }
0x51: {  	s1 =	rddreg [dreg:$0x1];
	p0 =	sne.s32 s2, $0x0  }
0x52: {  	s3 =	rddreg [dreg:$0x2];
	[bflag:$0x3] =	sbarrier.arrive $0xFFFF;
	s2 =	simm.s32 @!p0 $0x1C02  }
0x53: {  	[timem:s3], [sflag:s2] =	dma.local @!p0 [hbm:s0], s1  }
0x54: {  	s0 =	simm.s32 @!p0 $0x2  }
0x55: {  	_ =	swait.ge @!p0 [sflag:s0], s1  }
0x56: {  	s1 =	ssub.s32 @!p0 $0x0, s1;
	[sflag:s0] =	ssyncset.done @!p0 $0x0  }
0x57: {  	[sflag:s0] =	ssyncadd.s32 @!p0 s1  }
0x58: {  	[bflag:$0x3] =	sbarrier.arrive $0xFFFF  }
0x59: {  	_ =	shalt  }

// kernel: kernel.16.cloned.1.call-start
scs
__scs_entry_jumppad:
0x0: {  	(pc) =	sbr.rel $0x88, $3  }
0x1: {  	(tag) =	ssettag $0x0;
	lr =	simm.s32 $0x1  }
0x2: {  	[smem:$0x3F87] =	sst lr;
	_ =	strace $0xD0000000  }
0x3: {  	_ = 	snop  }
0x4: {  	_ = 	snop  }
0x5: {  	_ = 	snop  }
0x6: {  	_ = 	snop  }
0x7: {  	_ = 	snop  }
__scs_overlays_trampoline_lowered:
0x8: {  	[smem:$0x3F96] =	sst s0  }
0x9: {  	[smem:$0x3F97] =	sst s1  }
0xa: {  	[smem:$0x3F98] =	sst s2  }
0xb: {  	[smem:$0x3F99] =	sst s3  }
0xc: {  	[smem:$0x3F9A] =	sst s4  }
0xd: {  	[smem:$0x3F9B] =	sst s5  }
0xe: {  	[smem:$0x3F9C] =	sst s6  }
0xf: {  	[smem:$0x3F9D] =	sst s7  }
0x10: {  	[smem:$0x3F9E] =	sst s8  }
0x11: {  	[smem:$0x3F9F] =	sst s9;
	s0 =	simm.s32 @!p0 $0x0  }
0x12: {  	s1 =	sld [smem:$0x3F85];
	s0 =	simm.s32 @p0 $0x1  }
0x13: {  	[smem:$0x3FA0] =	sst s0;
	s0 =	simm.s32 @!p1 $0x0  }
0x14: {  	s2 =	sld [smem:$0x3F84];
	s0 =	simm.s32 @p1 $0x1  }
0x15: {  	[smem:$0x3FA1] =	sst s0;
	s0 =	simm.s32 @!p2 $0x0  }
0x16: {  	s3 =	sld [smem:$0x3FDB];
	s0 =	simm.s32 @p2 $0x1  }
0x17: {  	s4 =	simm.s32 $0x1BF5;
	[smem:$0x3FA3] =	sst s0  }
0x18: {  	s0 =	sld [smem:$0x3F86];
	_ =	swait.ge [sflag:s4], $0x0  }
0x19: {  	s7 =	sld [smem:$0x3F87]  }
0x1a: {  	s8 =	sadd.s32 $0xFFFFE003, lr  }
0x1b: {  	s9 =	sadd.s32 $0xFFFFFEF7, lr;
	s5 =	simm.s32 $0xFFFFFFFF;
	p2 =	slt.u32 s8, $0xFFFFF086  }
0x1c: {  	p1 =	slt.u32 s9, $0xF7A;
	s5 =	simm.s32 @!p2 $0x0  }
0x1d: {  	s5 =	simm.s32 @p1 $0x1;
	p0 =	seq.s32 s7, s2  }
0x1e: {  	s7 =	smul.u32 @!p0 $0xF7A, s2;
	p2 =	seq.s32 @!p0 s5, $0x0  }
0x1f: {  	s9 =	smul.u32 $0xF7A, s1;
	s8 =	simm.s32 @!p0 $0x1BF5;
	p2 =	por !p2, p0  }
0x20: {  	[sflag:s8] =	ssyncset.s32 @!p0 $0xFFFFF086;
	s6 =	sadd.s32 @!p0 s3, s7;
	s7 =	simm.s32 @!p0 $0x108  }
0x21: {  	s3 =	sadd.s32 s3, s9;
	s6 =	sadd.s32 @!p0 $0x88, s6;
	s7 =	simm.s32 @p2 $0x1082  }
0x22: {  	[simem:s7], [sflag:s8] =	dma.local @!p0 [hbm:s6], $0xF7A  }
0x23: {  	s9 =	sor.u32 $0xD0000000, s2;
	s6 =	simm.s32 $0x108;
	_ =	swait.ge @!p0 [sflag:s8], $0x0  }
0x24: {  	s3 =	sadd.s32 $0x88, s3;
	s6 =	simm.s32 @!p1 $0x1082;
	[sflag:s4] =	ssyncset.s32 $0xFFFFF086  }
0x25: {  	[simem:s6], [sflag:s4] =	dma.local [hbm:s3], $0xF7A  }
0x26: {  	[smem:$0x3F87] =	sst s1;
	(tag) =	ssettag s2;
	_ =	strace s9  }
0x27: {  	s1 =	sld [smem:$0x3F97]  }
0x28: {  	s2 =	sld [smem:$0x3F98]  }
0x29: {  	s4 =	sld [smem:$0x3F9A]  }
0x2a: {  	p0 =	seq.s32 s5, $0x0;
	s5 =	sld [smem:$0x3F9B]  }
0x2b: {  	s6 =	sld [smem:$0x3F9C]  }
0x2c: {  	s7 =	sld [smem:$0x3F9D]  }
0x2d: {  	s3 =	simm.s32 $0x108;
	s8 =	sld [smem:$0x3F9E]  }
0x2e: {  	s3 =	simm.s32 @!p0 $0x1082;
	s9 =	sld [smem:$0x3F9F]  }
0x2f: {  	lr =	sadd.s32 s0, s3;
	s0 =	sld [smem:$0x3F96]  }
0x30: {  	s3 =	sld [smem:$0x3F99]  }
0x31: {  	[smem:$0x3FA2] =	sst s10  }
0x32: {  	s10 =	sld [smem:$0x3FA0];
	_ =	sdelay $0x3  }
0x33: {  	p0 =	seq.s32 s10, $0x1;
	s10 =	sld [smem:$0x3FA2];
	_ =	sdelay $0x3  }
0x34: {  	[smem:$0x3FA2] =	sst s10  }
0x35: {  	s10 =	sld [smem:$0x3FA1];
	_ =	sdelay $0x3  }
0x36: {  	p1 =	seq.s32 s10, $0x1;
	s10 =	sld [smem:$0x3FA2];
	_ =	sdelay $0x3  }
0x37: {  	[smem:$0x3FA2] =	sst s10  }
0x38: {  	s10 =	sld [smem:$0x3FA3]  }
0x39: {  	_ = 	snop;
	(pc) =	sbr.ind lr, $3  }
0x3a: {  	_ = 	snop  }
0x3b: {  	_ = 	snop  }
0x3c: {  	p2 =	seq.s32 s10, $0x1;
	s10 =	sld [smem:$0x3FA2]  }
0x3d: {  	_ =	shalt  }
0x3e: {  	_ =	shalt  }
0x3f: {  	_ =	shalt  }
0x40: {  	_ =	shalt  }
0x41: {  	_ =	shalt  }
0x42: {  	_ =	shalt  }
0x43: {  	_ =	shalt  }
0x44: {  	_ =	shalt  }
0x45: {  	_ =	shalt  }
0x46: {  	_ =	shalt  }
0x47: {  	_ =	shalt  }
0x48: {  	_ =	shalt  }
0x49: {  	_ =	shalt  }
0x4a: {  	_ =	shalt  }
0x4b: {  	_ =	shalt  }
0x4c: {  	_ =	shalt  }
0x4d: {  	_ =	shalt  }
0x4e: {  	_ =	shalt  }
0x4f: {  	_ =	shalt  }
0x50: {  	_ =	shalt  }
0x51: {  	_ =	shalt  }
0x52: {  	_ =	shalt  }
0x53: {  	_ =	shalt  }
0x54: {  	_ =	shalt  }
0x55: {  	_ =	shalt  }
0x56: {  	_ =	shalt  }
0x57: {  	_ =	shalt  }
0x58: {  	_ =	shalt  }
0x59: {  	_ =	shalt  }
0x5a: {  	_ =	shalt  }
0x5b: {  	_ =	shalt  }
0x5c: {  	_ =	shalt  }
0x5d: {  	_ =	shalt  }
0x5e: {  	_ =	shalt  }
0x5f: {  	_ =	shalt  }
0x60: {  	_ =	shalt  }
0x61: {  	_ =	shalt  }
0x62: {  	_ =	shalt  }
0x63: {  	_ =	shalt  }
0x64: {  	_ =	shalt  }
0x65: {  	_ =	shalt  }
0x66: {  	_ =	shalt  }
0x67: {  	_ =	shalt  }
0x68: {  	_ =	shalt  }
0x69: {  	_ =	shalt  }
0x6a: {  	_ =	shalt  }
0x6b: {  	_ =	shalt  }
0x6c: {  	_ =	shalt  }
0x6d: {  	_ =	shalt  }
0x6e: {  	_ =	shalt  }
0x6f: {  	_ =	shalt  }
0x70: {  	_ =	shalt  }
0x71: {  	_ =	shalt  }
0x72: {  	_ =	shalt  }
0x73: {  	_ =	shalt  }
0x74: {  	_ =	shalt  }
0x75: {  	_ =	shalt  }
0x76: {  	_ =	shalt  }
0x77: {  	_ =	shalt  }
0x78: {  	_ =	shalt  }
0x79: {  	_ =	shalt  }
0x7a: {  	_ =	shalt  }
0x7b: {  	_ =	shalt  }
0x7c: {  	_ =	shalt  }
0x7d: {  	_ =	shalt  }
0x7e: {  	_ =	shalt  }
0x7f: {  	_ =	shalt  }
0x80: {  	_ =	shalt  }
0x81: {  	_ =	shalt  }
0x82: {  	_ =	shalt  }
0x83: {  	_ =	shalt  }
0x84: {  	_ =	shalt  }
0x85: {  	_ =	shalt  }
0x86: {  	_ =	shalt  }
0x87: {  	_ =	shalt  }
.Lfunc_end0:
.L_simem_size_0:
called_computation.2_lowered:
.L_overlay_start_0:
0x88: {  	s2 =	sld [smem:$0x3FD9]  }
0x89: {  	s3 =	sld [smem:$0x3FFE];
	_ =	sdelay $0x1  }
0x8a: {  	s1 =	srdreg.scid  }
0x8b: {  	s0 =	sand.u32 $0x1, s1  }
0x8c: {  	s16 =	sshll.u32 s0, $0xA;
	s2 =	sadd.s32 s3, s2  }
0x8d: {  	s2 =	sadd.s32 s2, s16  }
0x8e: {  	[smem:$0x3FAE] =	sst s2  }
0x8f: {  	_ = 	snop  }
0x90: {  	(tm) =	ssettm $0x1  }
0x91: {  	s17 =	sld [smem:$0x3FFB];
	_ =	sdelay $0x3  }
0x92: {  	_ =	strace s17  }
0x93: {  	s2 =	sld [smem:$0x3FFC];
	_ =	sdelay $0x3  }
0x94: {  	_ =	strace s2  }
0x95: {  	s2 =	sld [smem:$0x3FFD];
	_ =	sdelay $0x3  }
0x96: {  	_ =	strace s2  }
0x97: {  	_ =	strace $0x8FFFFFFF  }
0x98: {  	s18 =	sld [smem:$0x3FDB];
	_ =	sdelay $0x1  }
0x99: {  	s19 =	simm.s32 $_scs_section_size  }
0x9a: {  	s4 =	simm.s32 $_size__tile_overlayer_lowered;
	s5 =	simm.s32 $_tile_overlayer_lowered  }
0x9b: {  	s22 =	simm.s32 $0x1BFF;
	s21 =	sshll.u32 s5, $0x1;
	s2 =	sadd.s32 s19, s18  }
0x9c: {  	s6 =	simm.s32 $0x0;
	s20 =	sshll.u32 s4, $0x1;
	s4 =	sadd.s32 s21, s2  }
0x9d: {  	[timem:s6], [sflag:s22] =	dma.local [hbm:s4], s20  }
0x9e: {  	_ =	swait.ge [sflag:s22], s20  }
0x9f: {  	s3 =	ssub.s32 $0x0, s20;
	[sflag:s22] =	ssyncset.done $0x0  }
0xa0: {  	[sflag:s22] =	ssyncadd.s32 s3;
	_ =	sdelay $0x1  }
0xa1: {  	s23 =	simm.s32 $0x1B8B  }
0xa2: {  	_ =	swait.ge [sflag:s23], $0x1  }
0xa3: {  	[sflag:s23] =	ssyncset.done $0x0  }
0xa4: {  	s25 =	simm.s32 $0x1B8E;
	s24 =	sld [smem:$0x3FFE];
	[sflag:s23] =	ssyncadd.s32 $0xFFFFFFFF  }
0xa5: {  	s26 =	simm.s32 $execute0_lowered;
	[smem:$0x3FD2] =	sst s25  }
0xa6: {  	s4 =	sshll.u32 s26, $0x1;
	_ =	strace $0x8000004C;
	[dreg:$0x1] =	wrdreg $0xFFFFFFFF  }
0xa7: {  	s28 =	simm.s32 $_size_execute0_lowered;
	s2 =	sadd.s32 s2, s4;
	[dreg:$0x0] =	wrdreg $0x0  }
0xa8: {  	s4 =	sshll.u32 s28, $0x1;
	[dreg:$0x2] =	wrdreg s2  }
0xa9: {  	[dreg:$0x3] =	wrdreg s4  }
0xaa: {  	[dreg:$0x4] =	wrdreg $0xC0  }
0xab: {  	_ =	task [dreg:s6], $0x5FFFF  }
0xac: {  	[dreg:$0x1] =	wrdreg $0xFFFFFFFF  }
0xad: {  	[dreg:$0x0] =	wrdreg $0x60  }
0xae: {  	[dreg:$0x2] =	wrdreg s24  }
0xaf: {  	[dreg:$0x3] =	wrdreg $0x41000  }
0xb0: {  	[dreg:$0x4] =	wrdreg $0x9  }
0xb1: {  	_ =	task.clear_ibuf [dreg:s6], $0x5FFFF;
	_ =	strace $0x9000004C  }
0xb2: {  	s29 =	simm.s32 $0x9;
	_ =	strace $0x8000004E  }
0xb3: {  	_ =	swait.ge [sflag:s29], $0x1  }
0xb4: {  	[sflag:s29] =	ssyncadd.s32 $0xFFFFFFFF  }
0xb5: {  	_ =	strace $0x9000004E  }
0xb6: {  	_ =	sfence  }
0xb7: {  	s30 =	sld [smem:$0x0];
	_ =	sdelay $0x2  }
0xb8: {  	s31 =	sshll.u32 s1, $0xD;
	s1 =	sshrl.u32 s1, $0x2  }
0xb9: {  	s3 =	sand.u32 $0x4000, s31;
	s1 =	sadd.s32 s1, s30  }
0xba: {  	s0 =	sor.u32 s3, s0;
	s1 =	sshll.u32 s1, $0x11  }
0xbb: {  	s0 =	sor.u32 s1, s0  }
0xbc: {  	s0 =	sadd.s32 $0x8F2B, s0  }
0xbd: {  	[sflag:s0] =	ssyncadd.remote.s32 $0x1  }
0xbe: {  	_ =	sfence.sel $0xFFFF  }
0xbf: {  	[dreg:$0x0] =	wrdreg $0xFFFFFFFF;
	(pc) =	sbr.abs _section_cstart, $3  }
0xc0: {  	[dreg:$0x1] =	wrdreg $0xFFFFFFFF  }
0xc1: {  	_ =	task.clear_ibuf [dreg:s6], $0x2FFFF;
	_ =	strace $0x9FFFFFFF  }
0xc2: {  	(tm) =	ssettm $0x7FFFFFFF  }
0xc3: {  	_ =	shalt  }
tec
execute0_lowered:
.L_overlay_start_1:
0x0: {  	(tag) =	ssettag $0x1  }
0x1: {  	s5 =	rddreg [dreg:$0x0];
	s0 =	srdreg.scid  }
0x2: {  	s2 =	rddreg [dreg:$0x1];
	s1 =	stileid.u32  }
0x3: {  	s3 =	simm.s32 $0x0;
	s13 =	simm.s32 $0x80;
	s8 =	smul.u32 $0x13C00, s1  }
0x4: {  	s14 =	simm.s32 $0x100;
	s15 =	simm.s32 $0x1;
	s26 =	smul.u32 $0x4F000, s1  }
0x5: {  	s6 =	sand.u32 $0x1, s0;
	s0 =	rddreg [dreg:$0x2];
	s30 =	smul.u32 $0x500, s1  }
0x6: {  	s16 =	simm.s32 $0x0;
	[smem:$0x7FF] =	sst s3;
	s7 =	smul.u32 $0x5000, s6  }
0x7: {  	s4 =	sadd.s32 $0x91200, s5;
	s31 =	sshll.u32 s1, $0x6;
	s9 =	smul.u32 $0x13C000, s6  }
0x8: {  	_ =	strace $0x8000004D;
	s6 =	ssub.s32 $0x2, s6;
	s25 =	sshrl.u32 s8, $0x3  }
0x9: {  	s28 =	sshrl.u32 s6, $0x1;
	s29 =	sshrl.u32 s26, $0x2;
	s10 =	sadd.s32 s7, s5  }
0xa: {  	s8 =	sadd.s32 s8, s9;
	s7 =	sadd.s32 s25, s5;
	s11 =	ssub.s32 s6, s28  }
0xb: {  	s12 =	sadd.s32 s29, s2;
	s6 =	sor.u32 $0x1C02, s31;
	s8 =	sshrl.u32 s8, $0x3  }
0xc: {  	s10 =	sadd.s32 s30, s10;
	s8 =	sadd.s32 s8, s5;
	s5 =	sadd.s32 $0x10200, s7  }
0xd: {  	s9 =	sadd.s32 $0x6200, s10;
	s10 =	sadd.s32 $0x87200, s10;
	s7 =	sadd.s32 $0xB8400, s8  }
0xe: {  	s8 =	smax.u32 s11, $0x1;
	s11 =	sshrl.u32 s12, $0x3;
	s12 =	simm.s32 $0x2  }
.LBB2_1:
0xf: {  	[spmem:s11], [sflag:s6] =	dma.local [hbm:s5], $0x2780  }
0x10: {  	_ =	swait.ge [sflag:s12], $0x2780  }
0x11: {  	[sflag:s12] =	ssyncset.done $0x0  }
0x12: {  	[sflag:s12] =	ssyncadd.s32 $0xFFFFD880  }
0x13: {  	s17 =	sadd.s32 $0x0, s10;
	[bflag:$0x0] =	sbarrier.arrive $0xFFFF  }
0x14: {  	[tilespmem:s3], [sflag:$0x2] =	stream.linear.gather [hbm4b:s17+s3], $0x80, $0x38;
	[tilespmem:$0x17D00] =	vst v63  }
0x15: {  	_ =	swait.ge [sflag:s12], $0x80  }
0x16: {  	[sflag:s12] =	ssyncset.done $0x0  }
0x17: {  	s31 =	sadd.s32 $0x0, s9;
	[sflag:s12] =	ssyncadd.s32 $0xFFFFFF80  }
0x18: {  	[tilespmem:s13], [sflag:$0x2] =	stream.linear.gather [hbm4b:s31+s3], $0x80, $0x38;
	[tilespmem:$0x17D00] =	vst v63  }
0x19: {  	_ =	swait.ge [sflag:s12], $0x80  }
0x1a: {  	[sflag:s12] =	ssyncset.done $0x0  }
0x1b: {  	[sflag:s12] =	ssyncadd.s32 $0xFFFFFF80  }
0x1c: {  	[tilespmem:s14], [sflag:$0x1] =	stream.indirect.gather [hbm4b:s4+s13], $0x80, s3, s13, $0xb8;
	[tilespmem:$0x17D00] =	vst v63  }
0x1d: {  	_ =	swait.ge [sflag:s15], $0x4000  }
0x1e: {  	[sflag:s15] =	ssyncset.done $0x0  }
0x1f: {  	[sflag:s15] =	ssyncadd.s32 $0xFFFFC000  }
0x20: {  	[spmem:s2] =	stream.indirect.scatter.add.f32 [tilespmem:s14], [sflag:$0x2], $0x80, s13, s13, $0xb8;
	[tilespmem:$0x17D00] =	vst v63  }
0x21: {  	_ =	swait.ge [sflag:s12], $0x4000  }
0x22: {  	s18 =	simm.s32 $0x20;
	s17 =	simm.s32 $0x10;
	[sflag:s12] =	ssyncset.done $0x0  }
.LBB2_2:
0x23: {  	s19 =	sadd.s32 s17, s10  }
0x24: {  	[sflag:s12] =	ssyncadd.s32 $0xFFFFC000;
	s20 =	smov.u32 s18;
	s21 =	sadd.s32 $0x10, s18  }
0x25: {  	[tilespmem:s3], [sflag:$0x2] =	stream.linear.gather [hbm4b:s19+s3], $0x80, $0x38;
	[tilespmem:$0x17D00] =	vst v63  }
0x26: {  	p0 =	sne.s32 s18, $0x4F0;
	_ =	swait.ge [sflag:s12], $0x80  }
0x27: {  	[sflag:s12] =	ssyncset.done $0x0  }
0x28: {  	s18 =	sadd.s32 s17, s9;
	s17 =	smov.u32 s20;
	[sflag:s12] =	ssyncadd.s32 $0xFFFFFF80  }
0x29: {  	[tilespmem:s13], [sflag:$0x2] =	stream.linear.gather [hbm4b:s18+s3], $0x80, $0x38;
	[tilespmem:$0x17D00] =	vst v63  }
0x2a: {  	_ =	swait.ge [sflag:s12], $0x80  }
0x2b: {  	[sflag:s12] =	ssyncset.done $0x0  }
0x2c: {  	[sflag:s12] =	ssyncadd.s32 $0xFFFFFF80  }
0x2d: {  	[tilespmem:s14], [sflag:$0x1] =	stream.indirect.gather [hbm4b:s4+s13], $0x80, s3, s13, $0xb8;
	[tilespmem:$0x17D00] =	vst v63  }
0x2e: {  	_ =	swait.ge [sflag:s15], $0x4000  }
.Ltmp0:
0x2f: {  	[sflag:s15] =	ssyncset.done $0x0;
	(pc) =	sbr.rel @p0 .LBB2_2-.Ltmp0, $4  }
0x30: {  	[sflag:s15] =	ssyncadd.s32 $0xFFFFC000  }
0x31: {  	[spmem:s2] =	stream.indirect.scatter.add.f32 [tilespmem:s14], [sflag:$0x2], $0x80, s13, s13, $0xb8;
	[tilespmem:$0x17D00] =	vst v63  }
0x32: {  	_ =	swait.ge [sflag:s12], $0x4000  }
0x33: {  	s18 =	smov.u32 s21;
	[sflag:s12] =	ssyncset.done $0x0  }
0x34: {  	s18 =	sadd.s32 s17, s10;
	[sflag:s12] =	ssyncadd.s32 $0xFFFFC000  }
0x35: {  	[tilespmem:s3], [sflag:$0x2] =	stream.linear.gather [hbm4b:s18+s3], $0x80, $0x38;
	[tilespmem:$0x17D00] =	vst v63  }
0x36: {  	_ =	swait.ge [sflag:s12], $0x80  }
0x37: {  	[sflag:s12] =	ssyncset.done $0x0  }
0x38: {  	s31 =	sadd.s32 s17, s9;
	[sflag:s12] =	ssyncadd.s32 $0xFFFFFF80  }
0x39: {  	[tilespmem:s13], [sflag:$0x2] =	stream.linear.gather [hbm4b:s31+s3], $0x80, $0x38;
	[tilespmem:$0x17D00] =	vst v63  }
0x3a: {  	_ =	swait.ge [sflag:s12], $0x80  }
0x3b: {  	[sflag:s12] =	ssyncset.done $0x0  }
0x3c: {  	[sflag:s12] =	ssyncadd.s32 $0xFFFFFF80  }
0x3d: {  	[tilespmem:s14], [sflag:$0x1] =	stream.indirect.gather [hbm4b:s4+s13], $0x80, s3, s13, $0xb8;
	[tilespmem:$0x17D00] =	vst v63  }
0x3e: {  	_ =	swait.ge [sflag:s15], $0x4000  }
0x3f: {  	[sflag:s15] =	ssyncset.done $0x0  }
0x40: {  	[sflag:s15] =	ssyncadd.s32 $0xFFFFC000  }
0x41: {  	[spmem:s2] =	stream.indirect.scatter.add.f32 [tilespmem:s14], [sflag:$0x2], $0x80, s13, s13, $0xb8;
	[tilespmem:$0x17D00] =	vst v63  }
0x42: {  	_ =	swait.ge [sflag:s12], $0x4000  }
0x43: {  	s16 =	sadd.s32 $0x1, s16;
	[sflag:s12] =	ssyncset.done $0x0  }
0x44: {  	p0 =	sne.s32 s16, s8;
	[sflag:s12] =	ssyncadd.s32 $0xFFFFC000  }
.Ltmp1:
0x45: {  	[bflag:$0x0] =	sbarrier.arrive $0xFFFF;
	(pc) =	sbr.rel @p0 .LBB2_1-.Ltmp1, $4  }
0x46: {  	[hbm:s7], [sflag:s6] =	dma.local [spmem:s11], $0x2780  }
0x47: {  	_ =	swait.ge [sflag:s12], $0x2780  }
0x48: {  	[sflag:s12] =	ssyncset.done $0x0  }
0x49: {  	[sflag:s12] =	ssyncadd.s32 $0xFFFFD880  }
0x4a: {  	_ =	sfence.sel $0x180000  }
0x4b: {  	[bflag:$0x0] =	sbarrier.arrive $0xFFFF  }
0x4c: {  	p0 =	sne.s32 s1, $0x0;
	_ =	strace $0x9000004D  }
0x4d: {  	s0 =	sadd.s32 @!p0 $0x100000, s0;
	[bflag:$0x2] =	sbarrier.arrive $0xFFFF  }
0x4e: {  	[sflag:s0] =	ssyncadd.tile.s32 @!p0 $0x1;
	_ =	shalt  }
.Lfunc_end2:
_tile_overlayer_lowered:
.L_overlay_start_2:
0x4f: {  	(tag) =	ssettag $0x2  }
0x50: {  	s0 =	rddreg [dreg:$0x0];
	s2 =	stileid.u32  }
0x51: {  	s1 =	rddreg [dreg:$0x1];
	p0 =	sne.s32 s2, $0x0  }
0x52: {  	s3 =	rddreg [dreg:$0x2];
	[bflag:$0x3] =	sbarrier.arrive $0xFFFF;
	s2 =	simm.s32 @!p0 $0x1C02  }
0x53: {  	[timem:s3], [sflag:s2] =	dma.local @!p0 [hbm:s0], s1  }
0x54: {  	s0 =	simm.s32 @!p0 $0x2  }
0x55: {  	_ =	swait.ge @!p0 [sflag:s0], s1  }
0x56: {  	s1 =	ssub.s32 @!p0 $0x0, s1;
	[sflag:s0] =	ssyncset.done @!p0 $0x0  }
0x57: {  	[sflag:s0] =	ssyncadd.s32 @!p0 s1  }
0x58: {  	[bflag:$0x3] =	sbarrier.arrive $0xFFFF  }
0x59: {  	_ =	shalt  }

// kernel: kernel.19.cloned.1.call-start
scs
__scs_entry_jumppad:
0x0: {  	(pc) =	sbr.rel $0x88, $3  }
0x1: {  	(tag) =	ssettag $0x0;
	lr =	simm.s32 $0x1  }
0x2: {  	[smem:$0x3F87] =	sst lr;
	_ =	strace $0xD0000000  }
0x3: {  	_ = 	snop  }
0x4: {  	_ = 	snop  }
0x5: {  	_ = 	snop  }
0x6: {  	_ = 	snop  }
0x7: {  	_ = 	snop  }
__scs_overlays_trampoline_lowered:
0x8: {  	[smem:$0x3F96] =	sst s0  }
0x9: {  	[smem:$0x3F97] =	sst s1  }
0xa: {  	[smem:$0x3F98] =	sst s2  }
0xb: {  	[smem:$0x3F99] =	sst s3  }
0xc: {  	[smem:$0x3F9A] =	sst s4  }
0xd: {  	[smem:$0x3F9B] =	sst s5  }
0xe: {  	[smem:$0x3F9C] =	sst s6  }
0xf: {  	[smem:$0x3F9D] =	sst s7  }
0x10: {  	[smem:$0x3F9E] =	sst s8  }
0x11: {  	[smem:$0x3F9F] =	sst s9;
	s0 =	simm.s32 @!p0 $0x0  }
0x12: {  	s1 =	sld [smem:$0x3F85];
	s0 =	simm.s32 @p0 $0x1  }
0x13: {  	[smem:$0x3FA0] =	sst s0;
	s0 =	simm.s32 @!p1 $0x0  }
0x14: {  	s2 =	sld [smem:$0x3F84];
	s0 =	simm.s32 @p1 $0x1  }
0x15: {  	[smem:$0x3FA1] =	sst s0;
	s0 =	simm.s32 @!p2 $0x0  }
0x16: {  	s3 =	sld [smem:$0x3FDB];
	s0 =	simm.s32 @p2 $0x1  }
0x17: {  	s4 =	simm.s32 $0x1BF5;
	[smem:$0x3FA3] =	sst s0  }
0x18: {  	s0 =	sld [smem:$0x3F86];
	_ =	swait.ge [sflag:s4], $0x0  }
0x19: {  	s7 =	sld [smem:$0x3F87]  }
0x1a: {  	s8 =	sadd.s32 $0xFFFFE003, lr  }
0x1b: {  	s9 =	sadd.s32 $0xFFFFFEF7, lr;
	s5 =	simm.s32 $0xFFFFFFFF;
	p2 =	slt.u32 s8, $0xFFFFF086  }
0x1c: {  	p1 =	slt.u32 s9, $0xF7A;
	s5 =	simm.s32 @!p2 $0x0  }
0x1d: {  	s5 =	simm.s32 @p1 $0x1;
	p0 =	seq.s32 s7, s2  }
0x1e: {  	s7 =	smul.u32 @!p0 $0xF7A, s2;
	p2 =	seq.s32 @!p0 s5, $0x0  }
0x1f: {  	s9 =	smul.u32 $0xF7A, s1;
	s8 =	simm.s32 @!p0 $0x1BF5;
	p2 =	por !p2, p0  }
0x20: {  	[sflag:s8] =	ssyncset.s32 @!p0 $0xFFFFF086;
	s6 =	sadd.s32 @!p0 s3, s7;
	s7 =	simm.s32 @!p0 $0x108  }
0x21: {  	s3 =	sadd.s32 s3, s9;
	s6 =	sadd.s32 @!p0 $0x88, s6;
	s7 =	simm.s32 @p2 $0x1082  }
0x22: {  	[simem:s7], [sflag:s8] =	dma.local @!p0 [hbm:s6], $0xF7A  }
0x23: {  	s9 =	sor.u32 $0xD0000000, s2;
	s6 =	simm.s32 $0x108;
	_ =	swait.ge @!p0 [sflag:s8], $0x0  }
0x24: {  	s3 =	sadd.s32 $0x88, s3;
	s6 =	simm.s32 @!p1 $0x1082;
	[sflag:s4] =	ssyncset.s32 $0xFFFFF086  }
0x25: {  	[simem:s6], [sflag:s4] =	dma.local [hbm:s3], $0xF7A  }
0x26: {  	[smem:$0x3F87] =	sst s1;
	(tag) =	ssettag s2;
	_ =	strace s9  }
0x27: {  	s1 =	sld [smem:$0x3F97]  }
0x28: {  	s2 =	sld [smem:$0x3F98]  }
0x29: {  	s4 =	sld [smem:$0x3F9A]  }
0x2a: {  	p0 =	seq.s32 s5, $0x0;
	s5 =	sld [smem:$0x3F9B]  }
0x2b: {  	s6 =	sld [smem:$0x3F9C]  }
0x2c: {  	s7 =	sld [smem:$0x3F9D]  }
0x2d: {  	s3 =	simm.s32 $0x108;
	s8 =	sld [smem:$0x3F9E]  }
0x2e: {  	s3 =	simm.s32 @!p0 $0x1082;
	s9 =	sld [smem:$0x3F9F]  }
0x2f: {  	lr =	sadd.s32 s0, s3;
	s0 =	sld [smem:$0x3F96]  }
0x30: {  	s3 =	sld [smem:$0x3F99]  }
0x31: {  	[smem:$0x3FA2] =	sst s10  }
0x32: {  	s10 =	sld [smem:$0x3FA0];
	_ =	sdelay $0x3  }
0x33: {  	p0 =	seq.s32 s10, $0x1;
	s10 =	sld [smem:$0x3FA2];
	_ =	sdelay $0x3  }
0x34: {  	[smem:$0x3FA2] =	sst s10  }
0x35: {  	s10 =	sld [smem:$0x3FA1];
	_ =	sdelay $0x3  }
0x36: {  	p1 =	seq.s32 s10, $0x1;
	s10 =	sld [smem:$0x3FA2];
	_ =	sdelay $0x3  }
0x37: {  	[smem:$0x3FA2] =	sst s10  }
0x38: {  	s10 =	sld [smem:$0x3FA3]  }
0x39: {  	_ = 	snop;
	(pc) =	sbr.ind lr, $3  }
0x3a: {  	_ = 	snop  }
0x3b: {  	_ = 	snop  }
0x3c: {  	p2 =	seq.s32 s10, $0x1;
	s10 =	sld [smem:$0x3FA2]  }
0x3d: {  	_ =	shalt  }
0x3e: {  	_ =	shalt  }
0x3f: {  	_ =	shalt  }
0x40: {  	_ =	shalt  }
0x41: {  	_ =	shalt  }
0x42: {  	_ =	shalt  }
0x43: {  	_ =	shalt  }
0x44: {  	_ =	shalt  }
0x45: {  	_ =	shalt  }
0x46: {  	_ =	shalt  }
0x47: {  	_ =	shalt  }
0x48: {  	_ =	shalt  }
0x49: {  	_ =	shalt  }
0x4a: {  	_ =	shalt  }
0x4b: {  	_ =	shalt  }
0x4c: {  	_ =	shalt  }
0x4d: {  	_ =	shalt  }
0x4e: {  	_ =	shalt  }
0x4f: {  	_ =	shalt  }
0x50: {  	_ =	shalt  }
0x51: {  	_ =	shalt  }
0x52: {  	_ =	shalt  }
0x53: {  	_ =	shalt  }
0x54: {  	_ =	shalt  }
0x55: {  	_ =	shalt  }
0x56: {  	_ =	shalt  }
0x57: {  	_ =	shalt  }
0x58: {  	_ =	shalt  }
0x59: {  	_ =	shalt  }
0x5a: {  	_ =	shalt  }
0x5b: {  	_ =	shalt  }
0x5c: {  	_ =	shalt  }
0x5d: {  	_ =	shalt  }
0x5e: {  	_ =	shalt  }
0x5f: {  	_ =	shalt  }
0x60: {  	_ =	shalt  }
0x61: {  	_ =	shalt  }
0x62: {  	_ =	shalt  }
0x63: {  	_ =	shalt  }
0x64: {  	_ =	shalt  }
0x65: {  	_ =	shalt  }
0x66: {  	_ =	shalt  }
0x67: {  	_ =	shalt  }
0x68: {  	_ =	shalt  }
0x69: {  	_ =	shalt  }
0x6a: {  	_ =	shalt  }
0x6b: {  	_ =	shalt  }
0x6c: {  	_ =	shalt  }
0x6d: {  	_ =	shalt  }
0x6e: {  	_ =	shalt  }
0x6f: {  	_ =	shalt  }
0x70: {  	_ =	shalt  }
0x71: {  	_ =	shalt  }
0x72: {  	_ =	shalt  }
0x73: {  	_ =	shalt  }
0x74: {  	_ =	shalt  }
0x75: {  	_ =	shalt  }
0x76: {  	_ =	shalt  }
0x77: {  	_ =	shalt  }
0x78: {  	_ =	shalt  }
0x79: {  	_ =	shalt  }
0x7a: {  	_ =	shalt  }
0x7b: {  	_ =	shalt  }
0x7c: {  	_ =	shalt  }
0x7d: {  	_ =	shalt  }
0x7e: {  	_ =	shalt  }
0x7f: {  	_ =	shalt  }
0x80: {  	_ =	shalt  }
0x81: {  	_ =	shalt  }
0x82: {  	_ =	shalt  }
0x83: {  	_ =	shalt  }
0x84: {  	_ =	shalt  }
0x85: {  	_ =	shalt  }
0x86: {  	_ =	shalt  }
0x87: {  	_ =	shalt  }
.Lfunc_end0:
.L_simem_size_0:
called_computation.3_lowered:
.L_overlay_start_0:
0x88: {  	s2 =	sld [smem:$0x3FD9]  }
0x89: {  	s3 =	sld [smem:$0x3FFE];
	_ =	sdelay $0x1  }
0x8a: {  	s1 =	srdreg.scid  }
0x8b: {  	s0 =	sand.u32 $0x1, s1  }
0x8c: {  	s16 =	sshll.u32 s0, $0xA;
	s2 =	sadd.s32 s3, s2  }
0x8d: {  	s2 =	sadd.s32 s2, s16  }
0x8e: {  	[smem:$0x3FAE] =	sst s2  }
0x8f: {  	_ = 	snop  }
0x90: {  	(tm) =	ssettm $0x1  }
0x91: {  	s17 =	sld [smem:$0x3FFB];
	_ =	sdelay $0x3  }
0x92: {  	_ =	strace s17  }
0x93: {  	s2 =	sld [smem:$0x3FFC];
	_ =	sdelay $0x3  }
0x94: {  	_ =	strace s2  }
0x95: {  	s2 =	sld [smem:$0x3FFD];
	_ =	sdelay $0x3  }
0x96: {  	_ =	strace s2  }
0x97: {  	_ =	strace $0x8FFFFFFF  }
0x98: {  	s18 =	sld [smem:$0x3FDB];
	_ =	sdelay $0x1  }
0x99: {  	s19 =	simm.s32 $_scs_section_size  }
0x9a: {  	s4 =	simm.s32 $_size__tile_overlayer_lowered;
	s5 =	simm.s32 $_tile_overlayer_lowered  }
0x9b: {  	s22 =	simm.s32 $0x1BFF;
	s21 =	sshll.u32 s5, $0x1;
	s2 =	sadd.s32 s19, s18  }
0x9c: {  	s6 =	simm.s32 $0x0;
	s20 =	sshll.u32 s4, $0x1;
	s4 =	sadd.s32 s21, s2  }
0x9d: {  	[timem:s6], [sflag:s22] =	dma.local [hbm:s4], s20  }
0x9e: {  	_ =	swait.ge [sflag:s22], s20  }
0x9f: {  	s3 =	ssub.s32 $0x0, s20;
	[sflag:s22] =	ssyncset.done $0x0  }
0xa0: {  	[sflag:s22] =	ssyncadd.s32 s3;
	_ =	sdelay $0x1  }
0xa1: {  	s23 =	simm.s32 $0x1B8B  }
0xa2: {  	_ =	swait.ge [sflag:s23], $0x1  }
0xa3: {  	[sflag:s23] =	ssyncset.done $0x0  }
0xa4: {  	s25 =	simm.s32 $0x1B8E;
	s24 =	sld [smem:$0x3FFE];
	[sflag:s23] =	ssyncadd.s32 $0xFFFFFFFF  }
0xa5: {  	s26 =	simm.s32 $execute0_lowered;
	[smem:$0x3FD2] =	sst s25  }
0xa6: {  	s4 =	sshll.u32 s26, $0x1;
	_ =	strace $0x8000004F;
	[dreg:$0x1] =	wrdreg $0xFFFFFFFF  }
0xa7: {  	s28 =	simm.s32 $_size_execute0_lowered;
	s2 =	sadd.s32 s2, s4;
	[dreg:$0x0] =	wrdreg $0x0  }
0xa8: {  	s4 =	sshll.u32 s28, $0x1;
	[dreg:$0x2] =	wrdreg s2  }
0xa9: {  	[dreg:$0x3] =	wrdreg s4  }
0xaa: {  	[dreg:$0x4] =	wrdreg $0xC0  }
0xab: {  	_ =	task [dreg:s6], $0x5FFFF  }
0xac: {  	[dreg:$0x1] =	wrdreg $0xFFFFFFFF  }
0xad: {  	[dreg:$0x0] =	wrdreg $0x60  }
0xae: {  	[dreg:$0x2] =	wrdreg s24  }
0xaf: {  	[dreg:$0x3] =	wrdreg $0x41000  }
0xb0: {  	[dreg:$0x4] =	wrdreg $0x9  }
0xb1: {  	_ =	task.clear_ibuf [dreg:s6], $0x5FFFF;
	_ =	strace $0x9000004F  }
0xb2: {  	s29 =	simm.s32 $0x9;
	_ =	strace $0x80000051  }
0xb3: {  	_ =	swait.ge [sflag:s29], $0x1  }
0xb4: {  	[sflag:s29] =	ssyncadd.s32 $0xFFFFFFFF  }
0xb5: {  	_ =	strace $0x90000051  }
0xb6: {  	_ =	sfence  }
0xb7: {  	s30 =	sld [smem:$0x0];
	_ =	sdelay $0x2  }
0xb8: {  	s31 =	sshll.u32 s1, $0xD;
	s1 =	sshrl.u32 s1, $0x2  }
0xb9: {  	s3 =	sand.u32 $0x4000, s31;
	s1 =	sadd.s32 s1, s30  }
0xba: {  	s0 =	sor.u32 s3, s0;
	s1 =	sshll.u32 s1, $0x11  }
0xbb: {  	s0 =	sor.u32 s1, s0  }
0xbc: {  	s0 =	sadd.s32 $0x8F2B, s0  }
0xbd: {  	[sflag:s0] =	ssyncadd.remote.s32 $0x1  }
0xbe: {  	_ =	sfence.sel $0xFFFF  }
0xbf: {  	[dreg:$0x0] =	wrdreg $0xFFFFFFFF;
	(pc) =	sbr.abs _section_cstart, $3  }
0xc0: {  	[dreg:$0x1] =	wrdreg $0xFFFFFFFF  }
0xc1: {  	_ =	task.clear_ibuf [dreg:s6], $0x2FFFF;
	_ =	strace $0x9FFFFFFF  }
0xc2: {  	(tm) =	ssettm $0x7FFFFFFF  }
0xc3: {  	_ =	shalt  }
tec
execute0_lowered:
.L_overlay_start_1:
0x0: {  	(tag) =	ssettag $0x1  }
0x1: {  	s5 =	rddreg [dreg:$0x0];
	s0 =	srdreg.scid  }
0x2: {  	s2 =	rddreg [dreg:$0x1];
	s1 =	stileid.u32  }
0x3: {  	s3 =	simm.s32 $0x0;
	s13 =	simm.s32 $0x80;
	s8 =	smul.u32 $0x13C00, s1  }
0x4: {  	s14 =	simm.s32 $0x100;
	s15 =	simm.s32 $0x1;
	s26 =	smul.u32 $0x4F000, s1  }
0x5: {  	s6 =	sand.u32 $0x1, s0;
	s0 =	rddreg [dreg:$0x2];
	s30 =	smul.u32 $0x500, s1  }
0x6: {  	s16 =	simm.s32 $0x0;
	[smem:$0x7FF] =	sst s3;
	s7 =	smul.u32 $0x5000, s6  }
0x7: {  	s4 =	sadd.s32 $0x91200, s5;
	s31 =	sshll.u32 s1, $0x6;
	s9 =	smul.u32 $0x13C000, s6  }
0x8: {  	_ =	strace $0x80000050;
	s6 =	ssub.s32 $0x2, s6;
	s25 =	sshrl.u32 s8, $0x3  }
0x9: {  	s28 =	sshrl.u32 s6, $0x1;
	s29 =	sshrl.u32 s26, $0x2;
	s10 =	sadd.s32 s7, s5  }
0xa: {  	s8 =	sadd.s32 s8, s9;
	s7 =	sadd.s32 s25, s5;
	s11 =	ssub.s32 s6, s28  }
0xb: {  	s12 =	sadd.s32 s29, s2;
	s6 =	sor.u32 $0x1C02, s31;
	s8 =	sshrl.u32 s8, $0x3  }
0xc: {  	s10 =	sadd.s32 s30, s10;
	s8 =	sadd.s32 s8, s5;
	s5 =	sadd.s32 $0x10200, s7  }
0xd: {  	s9 =	sadd.s32 $0x6200, s10;
	s10 =	sadd.s32 $0x87200, s10;
	s7 =	sadd.s32 $0xB8400, s8  }
0xe: {  	s8 =	smax.u32 s11, $0x1;
	s11 =	sshrl.u32 s12, $0x3;
	s12 =	simm.s32 $0x2  }
.LBB2_1:
0xf: {  	[spmem:s11], [sflag:s6] =	dma.local [hbm:s5], $0x2780  }
0x10: {  	_ =	swait.ge [sflag:s12], $0x2780  }
0x11: {  	[sflag:s12] =	ssyncset.done $0x0  }
0x12: {  	[sflag:s12] =	ssyncadd.s32 $0xFFFFD880  }
0x13: {  	s17 =	sadd.s32 $0x0, s10;
	[bflag:$0x0] =	sbarrier.arrive $0xFFFF  }
0x14: {  	[tilespmem:s3], [sflag:$0x2] =	stream.linear.gather [hbm4b:s17+s3], $0x80, $0x38;
	[tilespmem:$0x17D00] =	vst v63  }
0x15: {  	_ =	swait.ge [sflag:s12], $0x80  }
0x16: {  	[sflag:s12] =	ssyncset.done $0x0  }
0x17: {  	s31 =	sadd.s32 $0x0, s9;
	[sflag:s12] =	ssyncadd.s32 $0xFFFFFF80  }
0x18: {  	[tilespmem:s13], [sflag:$0x2] =	stream.linear.gather [hbm4b:s31+s3], $0x80, $0x38;
	[tilespmem:$0x17D00] =	vst v63  }
0x19: {  	_ =	swait.ge [sflag:s12], $0x80  }
0x1a: {  	[sflag:s12] =	ssyncset.done $0x0  }
0x1b: {  	[sflag:s12] =	ssyncadd.s32 $0xFFFFFF80  }
0x1c: {  	[tilespmem:s14], [sflag:$0x1] =	stream.indirect.gather [hbm4b:s4+s13], $0x80, s3, s13, $0xb8;
	[tilespmem:$0x17D00] =	vst v63  }
0x1d: {  	_ =	swait.ge [sflag:s15], $0x4000  }
0x1e: {  	[sflag:s15] =	ssyncset.done $0x0  }
0x1f: {  	[sflag:s15] =	ssyncadd.s32 $0xFFFFC000  }
0x20: {  	[spmem:s2] =	stream.indirect.scatter.add.f32 [tilespmem:s14], [sflag:$0x2], $0x80, s13, s13, $0xb8;
	[tilespmem:$0x17D00] =	vst v63  }
0x21: {  	_ =	swait.ge [sflag:s12], $0x4000  }
0x22: {  	s18 =	simm.s32 $0x20;
	s17 =	simm.s32 $0x10;
	[sflag:s12] =	ssyncset.done $0x0  }
.LBB2_2:
0x23: {  	s19 =	sadd.s32 s17, s10  }
0x24: {  	[sflag:s12] =	ssyncadd.s32 $0xFFFFC000;
	s20 =	smov.u32 s18;
	s21 =	sadd.s32 $0x10, s18  }
0x25: {  	[tilespmem:s3], [sflag:$0x2] =	stream.linear.gather [hbm4b:s19+s3], $0x80, $0x38;
	[tilespmem:$0x17D00] =	vst v63  }
0x26: {  	p0 =	sne.s32 s18, $0x4F0;
	_ =	swait.ge [sflag:s12], $0x80  }
0x27: {  	[sflag:s12] =	ssyncset.done $0x0  }
0x28: {  	s18 =	sadd.s32 s17, s9;
	s17 =	smov.u32 s20;
	[sflag:s12] =	ssyncadd.s32 $0xFFFFFF80  }
0x29: {  	[tilespmem:s13], [sflag:$0x2] =	stream.linear.gather [hbm4b:s18+s3], $0x80, $0x38;
	[tilespmem:$0x17D00] =	vst v63  }
0x2a: {  	_ =	swait.ge [sflag:s12], $0x80  }
0x2b: {  	[sflag:s12] =	ssyncset.done $0x0  }
0x2c: {  	[sflag:s12] =	ssyncadd.s32 $0xFFFFFF80  }
0x2d: {  	[tilespmem:s14], [sflag:$0x1] =	stream.indirect.gather [hbm4b:s4+s13], $0x80, s3, s13, $0xb8;
	[tilespmem:$0x17D00] =	vst v63  }
0x2e: {  	_ =	swait.ge [sflag:s15], $0x4000  }
.Ltmp0:
0x2f: {  	[sflag:s15] =	ssyncset.done $0x0;
	(pc) =	sbr.rel @p0 .LBB2_2-.Ltmp0, $4  }
0x30: {  	[sflag:s15] =	ssyncadd.s32 $0xFFFFC000  }
0x31: {  	[spmem:s2] =	stream.indirect.scatter.add.f32 [tilespmem:s14], [sflag:$0x2], $0x80, s13, s13, $0xb8;
	[tilespmem:$0x17D00] =	vst v63  }
0x32: {  	_ =	swait.ge [sflag:s12], $0x4000  }
0x33: {  	s18 =	smov.u32 s21;
	[sflag:s12] =	ssyncset.done $0x0  }
0x34: {  	s18 =	sadd.s32 s17, s10;
	[sflag:s12] =	ssyncadd.s32 $0xFFFFC000  }
0x35: {  	[tilespmem:s3], [sflag:$0x2] =	stream.linear.gather [hbm4b:s18+s3], $0x80, $0x38;
	[tilespmem:$0x17D00] =	vst v63  }
0x36: {  	_ =	swait.ge [sflag:s12], $0x80  }
0x37: {  	[sflag:s12] =	ssyncset.done $0x0  }
0x38: {  	s31 =	sadd.s32 s17, s9;
	[sflag:s12] =	ssyncadd.s32 $0xFFFFFF80  }
0x39: {  	[tilespmem:s13], [sflag:$0x2] =	stream.linear.gather [hbm4b:s31+s3], $0x80, $0x38;
	[tilespmem:$0x17D00] =	vst v63  }
0x3a: {  	_ =	swait.ge [sflag:s12], $0x80  }
0x3b: {  	[sflag:s12] =	ssyncset.done $0x0  }
0x3c: {  	[sflag:s12] =	ssyncadd.s32 $0xFFFFFF80  }
0x3d: {  	[tilespmem:s14], [sflag:$0x1] =	stream.indirect.gather [hbm4b:s4+s13], $0x80, s3, s13, $0xb8;
	[tilespmem:$0x17D00] =	vst v63  }
0x3e: {  	_ =	swait.ge [sflag:s15], $0x4000  }
0x3f: {  	[sflag:s15] =	ssyncset.done $0x0  }
0x40: {  	[sflag:s15] =	ssyncadd.s32 $0xFFFFC000  }
0x41: {  	[spmem:s2] =	stream.indirect.scatter.add.f32 [tilespmem:s14], [sflag:$0x2], $0x80, s13, s13, $0xb8;
	[tilespmem:$0x17D00] =	vst v63  }
0x42: {  	_ =	swait.ge [sflag:s12], $0x4000  }
0x43: {  	s16 =	sadd.s32 $0x1, s16;
	[sflag:s12] =	ssyncset.done $0x0  }
0x44: {  	p0 =	sne.s32 s16, s8;
	[sflag:s12] =	ssyncadd.s32 $0xFFFFC000  }
.Ltmp1:
0x45: {  	[bflag:$0x0] =	sbarrier.arrive $0xFFFF;
	(pc) =	sbr.rel @p0 .LBB2_1-.Ltmp1, $4  }
0x46: {  	[hbm:s7], [sflag:s6] =	dma.local [spmem:s11], $0x2780  }
0x47: {  	_ =	swait.ge [sflag:s12], $0x2780  }
0x48: {  	[sflag:s12] =	ssyncset.done $0x0  }
0x49: {  	[sflag:s12] =	ssyncadd.s32 $0xFFFFD880  }
0x4a: {  	_ =	sfence.sel $0x180000  }
0x4b: {  	[bflag:$0x0] =	sbarrier.arrive $0xFFFF  }
0x4c: {  	p0 =	sne.s32 s1, $0x0;
	_ =	strace $0x90000050  }
0x4d: {  	s0 =	sadd.s32 @!p0 $0x100000, s0;
	[bflag:$0x2] =	sbarrier.arrive $0xFFFF  }
0x4e: {  	[sflag:s0] =	ssyncadd.tile.s32 @!p0 $0x1;
	_ =	shalt  }
.Lfunc_end2:
_tile_overlayer_lowered:
.L_overlay_start_2:
0x4f: {  	(tag) =	ssettag $0x2  }
0x50: {  	s0 =	rddreg [dreg:$0x0];
	s2 =	stileid.u32  }
0x51: {  	s1 =	rddreg [dreg:$0x1];
	p0 =	sne.s32 s2, $0x0  }
0x52: {  	s3 =	rddreg [dreg:$0x2];
	[bflag:$0x3] =	sbarrier.arrive $0xFFFF;
	s2 =	simm.s32 @!p0 $0x1C02  }
0x53: {  	[timem:s3], [sflag:s2] =	dma.local @!p0 [hbm:s0], s1  }
0x54: {  	s0 =	simm.s32 @!p0 $0x2  }
0x55: {  	_ =	swait.ge @!p0 [sflag:s0], s1  }
0x56: {  	s1 =	ssub.s32 @!p0 $0x0, s1;
	[sflag:s0] =	ssyncset.done @!p0 $0x0  }
0x57: {  	[sflag:s0] =	ssyncadd.s32 @!p0 s1  }
0x58: {  	[bflag:$0x3] =	sbarrier.arrive $0xFFFF  }
0x59: {  	_ =	shalt  }

</sc_bundles>
